<compile_context>
chip_gen: v7x
topology: tpu7x:2x2x1
jax: 0.10.2.dev20260603
libtpu: 0.0.44.dev20260713+nightly
codegen_flags: <defaults>
</compile_context>

<pallas_src>
import functools

import jax
import jax.numpy as jnp
from jax import lax
from jax.experimental import pallas as pl
from jax.experimental.pallas import tpu as pltpu
from jax.experimental.pallas import tpu_sc as plsc

N_FEAT = 1024
DIM = 128
N_CLASSES = 100000
CHUNK = 1000
N_CHUNKS = N_CLASSES // CHUNK
TOPK = 8
INV_TEMP = 1.0 / 0.07

NUM_WORKERS = 32
ROWS_PER_W = N_FEAT // NUM_WORKERS


def _extract_top8_to(vals, idxs, outv_ref, outi_ref):
    big = jnp.float32(3.0e7)
    for k in range(TOPK):
        m = jnp.max(vals, axis=1, keepdims=True)
        im = jnp.min(jnp.where(vals == m, idxs, big), axis=1, keepdims=True)
        outv_ref[:, k:k + 1] = m
        outi_ref[:, k:k + 1] = im
        if k < TOPK - 1:
            vals = jnp.where(idxs == im, jnp.float32(-2.0), vals)


MERGE_EVERY = 10


def _topk_tc_body(feat_ref, p_ref, topv_ref, topi_ref,
                  qn_ref, runv_ref, runi_ref, zacc_ref,
                  candv_ref, candi_ref, ctmp_v, ctmp_i):
    c = pl.program_id(0)

    @pl.when(c == 0)
    def _init():
        q = feat_ref[...]
        n = jnp.sqrt(jnp.sum(q * q, axis=1, keepdims=True))
        qn_ref[...] = q / jnp.maximum(n, jnp.float32(1e-12))
        runv_ref[...] = jnp.full((N_FEAT, TOPK), -1.0, jnp.float32)
        runi_ref[...] = jnp.zeros((N_FEAT, TOPK), jnp.float32)
        zacc_ref[...] = jnp.zeros((N_FEAT, CHUNK), jnp.float32)

    p = p_ref[...]
    pn_scale = lax.rsqrt(jnp.maximum(jnp.sum(p * p, axis=1, keepdims=True),
                                     jnp.float32(1e-24)))
    pn = p * pn_scale
    sims = lax.dot_general(qn_ref[...], pn, (((1,), (1,)), ((), ())),
                           preferred_element_type=jnp.float32)
    e = jnp.exp(sims * jnp.float32(INV_TEMP))
    zacc_ref[...] += e

    col = ((c * CHUNK).astype(jnp.float32)
           + lax.broadcasted_iota(jnp.int32, (N_FEAT, CHUNK), 1
                                  ).astype(jnp.float32))
    _extract_top8_to(e, col, ctmp_v, ctmp_i)
    slot = lax.rem(c, MERGE_EVERY)
    for b in range(MERGE_EVERY):
        @pl.when(slot == b)
        def _store(b=b):
            candv_ref[:, b * TOPK:(b + 1) * TOPK] = ctmp_v[...]
            candi_ref[:, b * TOPK:(b + 1) * TOPK] = ctmp_i[...]

    @pl.when(slot == MERGE_EVERY - 1)
    def _merge():
        mergev = jnp.concatenate([runv_ref[...], candv_ref[...]], axis=1)
        mergei = jnp.concatenate([runi_ref[...], candi_ref[...]], axis=1)
        _extract_top8_to(mergev, mergei, runv_ref, runi_ref)

    @pl.when(c == N_CHUNKS - 1)
    def _fin():
        tv = runv_ref[...]
        s8 = jnp.sum(tv, axis=1, keepdims=True)
        zsum = jnp.sum(zacc_ref[...], axis=1, keepdims=True)
        denom = s8 + jnp.float32(1e-9) * zsum
        topv_ref[...] = tv / denom
        topi_ref[...] = runi_ref[...].astype(jnp.int32)


def _topk_tc(feat, prompts):
    return pl.pallas_call(
        _topk_tc_body,
        grid=(N_CHUNKS,),
        in_specs=[
            pl.BlockSpec((N_FEAT, DIM), lambda c: (0, 0)),
            pl.BlockSpec((CHUNK, DIM), lambda c: (c, 0)),
        ],
        out_specs=[
            pl.BlockSpec((N_FEAT, TOPK), lambda c: (0, 0)),
            pl.BlockSpec((N_FEAT, TOPK), lambda c: (0, 0)),
        ],
        out_shape=[
            jax.ShapeDtypeStruct((N_FEAT, TOPK), jnp.float32),
            jax.ShapeDtypeStruct((N_FEAT, TOPK), jnp.int32),
        ],
        scratch_shapes=[
            pltpu.VMEM((N_FEAT, DIM), jnp.float32),
            pltpu.VMEM((N_FEAT, TOPK), jnp.float32),
            pltpu.VMEM((N_FEAT, TOPK), jnp.float32),
            pltpu.VMEM((N_FEAT, CHUNK), jnp.float32),
            pltpu.VMEM((N_FEAT, MERGE_EVERY * TOPK), jnp.float32),
            pltpu.VMEM((N_FEAT, MERGE_EVERY * TOPK), jnp.float32),
            pltpu.VMEM((N_FEAT, TOPK), jnp.float32),
            pltpu.VMEM((N_FEAT, TOPK), jnp.float32),
        ],
        compiler_params=pltpu.CompilerParams(
            dimension_semantics=("arbitrary",)),
    )(feat, prompts)


def _sc_body(topv_hbm, topi_hbm, prompts_hbm, probs_hbm, mixed_hbm,
             topv_v, topi_v, zbuf, idx_v, prow_v, mrow_v, sem, sem2):
    core = lax.axis_index("c")
    sub = lax.axis_index("s")
    wid = sub * 2 + core
    base = wid * ROWS_PER_W

    pltpu.sync_copy(topv_hbm.at[pl.ds(base * TOPK, ROWS_PER_W * TOPK)], topv_v)
    pltpu.sync_copy(topi_hbm.at[pl.ds(base * TOPK, ROWS_PER_W * TOPK)], topi_v)

    def zstep(i, carry):
        z16 = jnp.zeros((16,), jnp.float32)
        zbuf[pl.ds(i * 64, 16)] = z16
        zbuf[pl.ds(i * 64 + 16, 16)] = z16
        zbuf[pl.ds(i * 64 + 32, 16)] = z16
        zbuf[pl.ds(i * 64 + 48, 16)] = z16
        return carry

    lax.fori_loop(0, N_CLASSES // 64, zstep, 0)
    for t in range((N_CLASSES % 64) // 16):
        zbuf[pl.ds((N_CLASSES // 64) * 64 + t * 16, 16)] = (
            jnp.zeros((16,), jnp.float32))

    lanes = lax.iota(jnp.int32, 16)
    k8 = lanes & 7
    m8 = lanes < 8
    zero16 = jnp.zeros((16,), jnp.float32)

    def row_step(r, carry):
        rbase = jnp.zeros((16,), jnp.int32) + r * TOPK
        idx16 = plsc.load_gather(topi_v, [rbase + k8])
        v16 = plsc.load_gather(topv_v, [rbase + k8])
        plsc.store_scatter(zbuf, [idx16], v16, mask=m8)
        cpz = pltpu.make_async_copy(zbuf, probs_hbm.at[base + r], sem2)
        cpz.start()
        idx_v[...] = idx16
        cp = pltpu.make_async_copy(prompts_hbm.at[idx_v], prow_v, sem)
        cp.start()
        cp.wait()
        ws = [plsc.load_gather(topv_v, [rbase + k])
              for k in range(TOPK)]
        for j in range(DIM // 16):
            acc = ws[0] * prow_v[0, pl.ds(j * 16, 16)]
            for k in range(1, TOPK):
                acc = acc + ws[k] * prow_v[k, pl.ds(j * 16, 16)]
            mrow_v[pl.ds(j * 16, 16)] = acc
        pltpu.sync_copy(mrow_v, mixed_hbm.at[base + r])
        cpz.wait()
        plsc.store_scatter(zbuf, [idx16], zero16, mask=m8)
        return carry

    lax.fori_loop(0, ROWS_PER_W, row_step, 0)


def _sc_scatter_mix(topv, topi, prompts):
    mesh = plsc.VectorSubcoreMesh(core_axis_name="c", subcore_axis_name="s")
    fn = pl.kernel(
        _sc_body,
        out_type=[
            jax.ShapeDtypeStruct((N_FEAT, N_CLASSES), jnp.float32),
            jax.ShapeDtypeStruct((N_FEAT, DIM), jnp.float32),
        ],
        mesh=mesh,
        scratch_types=[
            pltpu.VMEM((ROWS_PER_W * TOPK,), jnp.float32),
            pltpu.VMEM((ROWS_PER_W * TOPK,), jnp.int32),
            pltpu.VMEM((N_CLASSES,), jnp.float32),
            pltpu.VMEM((16,), jnp.int32),
            pltpu.VMEM((16, DIM), jnp.float32),
            pltpu.VMEM((DIM,), jnp.float32),
            pltpu.SemaphoreType.DMA,
            pltpu.SemaphoreType.DMA,
        ],
        compiler_params=pltpu.CompilerParams(needs_layout_passes=False),
    )
    return fn(topv.reshape(-1), topi.reshape(-1), prompts)


def kernel(feat, prompts, topk):
    del topk
    topv, topi = _topk_tc(feat, prompts)
    probs, mixed = _sc_scatter_mix(topv, topi, prompts)
    return (mixed, probs)

# --- scband reference (transcript-rebuilt; emitter-appended) ---
"""Pipeline reference for scband-semantic-prompt-bank-35235911696693 (READ-ONLY COPY).

The authoritative reference and input builder live on the scoring server;
editing this copy changes nothing except your own understanding.
"""

import jax, jax.numpy as jnp
import numpy as np


def _normalize(x, eps=1e-12):
    n = jnp.linalg.norm(x, axis=1, keepdims=True)
    return x / jnp.maximum(n, eps)


def setup_inputs(seed: int = 0) -> dict:
    key = jax.random.key(seed)
    k1, k2 = jax.random.split(key)
    feat = jax.random.normal(k1, (1024, 128), dtype=jnp.float32)
    prompts = jax.random.normal(k2, (100000, 128), dtype=jnp.float32) * 0.01
    return {"feat": feat, "prompts": prompts, "topk": 8}


def reference(feat, prompts, topk):
    # soft_mix(feat, topk=topk, temp=0.07) of SemanticPromptBank
    num_classes = prompts.shape[0]
    p = _normalize(prompts)
    q = _normalize(feat)
    sims = jnp.matmul(q, p.T)
    probs = jax.nn.softmax(sims / 0.07, axis=1)
    static_topk = 8
    _, topk_idx = jax.lax.top_k(probs, static_topk)
    rows = jnp.arange(probs.shape[0])[:, None]
    mask = jnp.zeros_like(probs).at[rows, topk_idx].set(1.0)
    masked = probs * mask
    masked = masked / (jnp.sum(masked, axis=1, keepdims=True) + 1e-09)
    probs = jnp.where(topk < num_classes, masked, probs)
    mixed_prompt = jnp.matmul(probs, prompts)
    return (mixed_prompt, probs)

if __name__ == "__main__":
    import jax
    _d = setup_inputs()
    print(jax.jit(kernel)(*tuple(_d.values())))

</pallas_src>

<mosaic_0001>
#map = affine_map<(d0, d1) -> (0)>
#map1 = affine_map<(d0, d1) -> (0, 0)>
module attributes {stable_mosaic.version = 14 : i64} {
  func.func @_sc_body(%arg0: i32, %arg1: i32, %arg2: memref<8192xf32, #tpu.memory_space<hbm>>, %arg3: memref<8192xi32, #tpu.memory_space<hbm>>, %arg4: memref<100000x128xf32, #tpu.memory_space<hbm>>, %arg5: memref<1024x100000xf32, #tpu.memory_space<hbm>>, %arg6: memref<1024x128xf32, #tpu.memory_space<hbm>>, %arg7: memref<256xf32, #tpu.memory_space<vmem>>, %arg8: memref<256xi32, #tpu.memory_space<vmem>>, %arg9: memref<100000xf32, #tpu.memory_space<vmem>>, %arg10: memref<16xi32, #tpu.memory_space<vmem>>, %arg11: memref<16x128xf32, #tpu.memory_space<vmem>>, %arg12: memref<128xf32, #tpu.memory_space<vmem>>, %arg13: memref<!tpu.dma_semaphore, #tpu.memory_space<semaphore_mem>>, %arg14: memref<!tpu.dma_semaphore, #tpu.memory_space<semaphore_mem>>) attributes {dimension_semantics = [#tpu.dimension_semantics<core_parallel>, #tpu.dimension_semantics<subcore_parallel>], iteration_bounds = array<i64: 2, 16>, scalar_prefetch = 0 : i64, scratch_operands = 8 : i64, tpu.core_type = #tpu.core_type<sc_vector_subcore>, window_params = [{transform_indices = #map}, {transform_indices = #map}, {transform_indices = #map1}, {transform_indices = #map1}, {transform_indices = #map1}]} {
    %mul3A = arith.constant 2 : i32
    %mul3A_0 = arith.muli %arg1, %mul3A : i32
    %add3A = arith.addi %mul3A_0, %arg0 : i32
    %mul3A_1 = arith.constant 32 : i32
    %mul3A_2 = arith.muli %add3A, %mul3A_1 : i32
    %mul3A_3 = arith.constant 8 : i32
    %mul3A_4 = arith.muli %mul3A_2, %mul3A_3 : i32
    "tpu.region"() ({
      %run_scoped3A = tpu.sem_alloc : memref<!tpu.dma_semaphore, #tpu.memory_space<semaphore_mem>>
      %dma_start3A = tpu.memref_slice %arg2[%mul3A_4] : memref<8192xf32, #tpu.memory_space<hbm>> -> memref<256xf32, #tpu.memory_space<hbm>>
      %dma_start3A_30 = tpu.memref_slice %arg2[%mul3A_4] : memref<8192xf32, #tpu.memory_space<hbm>> -> memref<256xf32, #tpu.memory_space<hbm>>
      tpu.enqueue_dma source(%dma_start3A_30 : memref<256xf32, #tpu.memory_space<hbm>>) target(%arg7 : memref<256xf32, #tpu.memory_space<vmem>>) target_semaphore(%run_scoped3A : memref<!tpu.dma_semaphore, #tpu.memory_space<semaphore_mem>>)
      %dma_wait3A = tpu.memref_slice %arg2[%mul3A_4] : memref<8192xf32, #tpu.memory_space<hbm>> -> memref<256xf32, #tpu.memory_space<hbm>>
      %dma_wait3A_31 = tpu.memref_slice %arg2[%mul3A_4] : memref<8192xf32, #tpu.memory_space<hbm>> -> memref<256xf32, #tpu.memory_space<hbm>>
      tpu.wait_dma2 semaphore(%run_scoped3A : memref<!tpu.dma_semaphore, #tpu.memory_space<semaphore_mem>>) src(%dma_wait3A_31 : memref<256xf32, #tpu.memory_space<hbm>>) dst(%arg7 : memref<256xf32, #tpu.memory_space<vmem>>)
      tpu.yield
    }) : () -> ()
    %mul3A_5 = arith.constant 8 : i32
    %mul3A_6 = arith.muli %mul3A_2, %mul3A_5 : i32
    "tpu.region"() ({
      %run_scoped3A = tpu.sem_alloc : memref<!tpu.dma_semaphore, #tpu.memory_space<semaphore_mem>>
      %dma_start3A = tpu.memref_slice %arg3[%mul3A_6] : memref<8192xi32, #tpu.memory_space<hbm>> -> memref<256xi32, #tpu.memory_space<hbm>>
      %dma_start3A_30 = tpu.memref_slice %arg3[%mul3A_6] : memref<8192xi32, #tpu.memory_space<hbm>> -> memref<256xi32, #tpu.memory_space<hbm>>
      tpu.enqueue_dma source(%dma_start3A_30 : memref<256xi32, #tpu.memory_space<hbm>>) target(%arg8 : memref<256xi32, #tpu.memory_space<vmem>>) target_semaphore(%run_scoped3A : memref<!tpu.dma_semaphore, #tpu.memory_space<semaphore_mem>>)
      %dma_wait3A = tpu.memref_slice %arg3[%mul3A_6] : memref<8192xi32, #tpu.memory_space<hbm>> -> memref<256xi32, #tpu.memory_space<hbm>>
      %dma_wait3A_31 = tpu.memref_slice %arg3[%mul3A_6] : memref<8192xi32, #tpu.memory_space<hbm>> -> memref<256xi32, #tpu.memory_space<hbm>>
      tpu.wait_dma2 semaphore(%run_scoped3A : memref<!tpu.dma_semaphore, #tpu.memory_space<semaphore_mem>>) src(%dma_wait3A_31 : memref<256xi32, #tpu.memory_space<hbm>>) dst(%arg8 : memref<256xi32, #tpu.memory_space<vmem>>)
      tpu.yield
    }) : () -> ()
    %scan3A = arith.constant 0 : i32
    %scan3A_7 = arith.constant 0 : i32
    %scan3A_8 = arith.constant 1562 : i32
    %scan3A_9 = arith.addi %scan3A_7, %scan3A_8 : i32
    %scan3A_10 = arith.constant 1 : i32
    scf.for %scan3A_30 = %scan3A_7 to %scan3A_9 step %scan3A_10  : i32 {
      %broadcast_in_dim3A_31 = arith.constant 0.000000e+00 : f32
      %broadcast_in_dim3A_32 = vector.broadcast %broadcast_in_dim3A_31 : f32 to vector<16xf32>
      %mul3A_33 = arith.constant 64 : i32
      %mul3A_34 = arith.muli %scan3A_30, %mul3A_33 : i32
      %swap3A_35 = arith.index_cast %mul3A_34 : i32 to index
      %swap3A_36 = tpu.vector_load %arg9[%swap3A_35] {strides = array<i32>} : memref<100000xf32, #tpu.memory_space<vmem>>, vector<16xf32>,
      tpu.vector_store %arg9[%swap3A_35], %broadcast_in_dim3A_32 {strides = array<i32>} : memref<100000xf32, #tpu.memory_space<vmem>>, vector<16xf32>,
      %mul3A_37 = arith.constant 64 : i32
      %mul3A_38 = arith.muli %scan3A_30, %mul3A_37 : i32
      %add3A_39 = arith.constant 16 : i32
      %add3A_40 = arith.addi %mul3A_38, %add3A_39 : i32
      %swap3A_41 = arith.index_cast %add3A_40 : i32 to index
      %swap3A_42 = tpu.vector_load %arg9[%swap3A_41] {strides = array<i32>} : memref<100000xf32, #tpu.memory_space<vmem>>, vector<16xf32>,
      tpu.vector_store %arg9[%swap3A_41], %broadcast_in_dim3A_32 {strides = array<i32>} : memref<100000xf32, #tpu.memory_space<vmem>>, vector<16xf32>,
      %mul3A_43 = arith.constant 64 : i32
      %mul3A_44 = arith.muli %scan3A_30, %mul3A_43 : i32
      %add3A_45 = arith.constant 32 : i32
      %add3A_46 = arith.addi %mul3A_44, %add3A_45 : i32
      %swap3A_47 = arith.index_cast %add3A_46 : i32 to index
      %swap3A_48 = tpu.vector_load %arg9[%swap3A_47] {strides = array<i32>} : memref<100000xf32, #tpu.memory_space<vmem>>, vector<16xf32>,
      tpu.vector_store %arg9[%swap3A_47], %broadcast_in_dim3A_32 {strides = array<i32>} : memref<100000xf32, #tpu.memory_space<vmem>>, vector<16xf32>,
      %mul3A_49 = arith.constant 64 : i32
      %mul3A_50 = arith.muli %scan3A_30, %mul3A_49 : i32
      %add3A_51 = arith.constant 48 : i32
      %add3A_52 = arith.addi %mul3A_50, %add3A_51 : i32
      %swap3A_53 = arith.index_cast %add3A_52 : i32 to index
      %swap3A_54 = tpu.vector_load %arg9[%swap3A_53] {strides = array<i32>} : memref<100000xf32, #tpu.memory_space<vmem>>, vector<16xf32>,
      tpu.vector_store %arg9[%swap3A_53], %broadcast_in_dim3A_32 {strides = array<i32>} : memref<100000xf32, #tpu.memory_space<vmem>>, vector<16xf32>,
    }
    %scan3A_11 = arith.constant 1562 : i32
    %broadcast_in_dim3A = arith.constant 0.000000e+00 : f32
    %broadcast_in_dim3A_12 = vector.broadcast %broadcast_in_dim3A : f32 to vector<16xf32>
    %swap3A = arith.constant 99968 : index
    %swap3A_13 = tpu.vector_load %arg9[%swap3A] {strides = array<i32>} : memref<100000xf32, #tpu.memory_space<vmem>>, vector<16xf32>,
    tpu.vector_store %arg9[%swap3A], %broadcast_in_dim3A_12 {strides = array<i32>} : memref<100000xf32, #tpu.memory_space<vmem>>, vector<16xf32>,
    %broadcast_in_dim3A_14 = arith.constant 0.000000e+00 : f32
    %broadcast_in_dim3A_15 = vector.broadcast %broadcast_in_dim3A_14 : f32 to vector<16xf32>
    %swap3A_16 = arith.constant 99984 : index
    %swap3A_17 = tpu.vector_load %arg9[%swap3A_16] {strides = array<i32>} : memref<100000xf32, #tpu.memory_space<vmem>>, vector<16xf32>,
    tpu.vector_store %arg9[%swap3A_16], %broadcast_in_dim3A_15 {strides = array<i32>} : memref<100000xf32, #tpu.memory_space<vmem>>, vector<16xf32>,
    %iota3A = tpu.iota {dimensions = array<i32: 0>} : vector<16xi32>
    %and3A = arith.constant 7 : i32
    %and3A_18 = vector.broadcast %and3A : i32 to vector<16xi32>
    %and3A_19 = arith.andi %iota3A, %and3A_18 : vector<16xi32>
    %lt3A = arith.constant 8 : i32
    %lt3A_20 = vector.broadcast %lt3A : i32 to vector<16xi32>
    %lt3A_21 = arith.cmpi slt, %iota3A, %lt3A_20 : vector<16xi32>
    %broadcast_in_dim3A_22 = arith.constant 0.000000e+00 : f32
    %broadcast_in_dim3A_23 = vector.broadcast %broadcast_in_dim3A_22 : f32 to vector<16xf32>
    %scan3A_24 = arith.constant 0 : i32
    %scan3A_25 = arith.constant 0 : i32
    %scan3A_26 = arith.constant 32 : i32
    %scan3A_27 = arith.addi %scan3A_25, %scan3A_26 : i32
    %scan3A_28 = arith.constant 1 : i32
    scf.for %scan3A_30 = %scan3A_25 to %scan3A_27 step %scan3A_28  : i32 {
      %broadcast_in_dim3A_31 = arith.constant 0 : i32
      %broadcast_in_dim3A_32 = vector.broadcast %broadcast_in_dim3A_31 : i32 to vector<16xi32>
      %mul3A_33 = arith.constant 8 : i32
      %mul3A_34 = arith.muli %scan3A_30, %mul3A_33 : i32
      %add3A_35 = vector.broadcast %mul3A_34 : i32 to vector<16xi32>
      %add3A_36 = arith.addi %broadcast_in_dim3A_32, %add3A_35 : vector<16xi32>
      %add3A_37 = arith.addi %add3A_36, %and3A_19 : vector<16xi32>
      %gather3A = tpu.vector_load_idx %arg8[%add3A_37] : memref<256xi32, #tpu.memory_space<vmem>>[vector<16xi32>], vector<16xi32>,
      %add3A_38 = arith.addi %add3A_36, %and3A_19 : vector<16xi32>
      %gather3A_39 = tpu.vector_load_idx %arg7[%add3A_38] : memref<256xf32, #tpu.memory_space<vmem>>[vector<16xi32>], vector<16xf32>,
      tpu.vector_store_idx %arg9[%gather3A], %gather3A_39 masked %lt3A_21 : memref<100000xf32, #tpu.memory_space<vmem>>[vector<16xi32>], vector<16xf32>, vector<16xi1>
      %add3A_40 = arith.addi %mul3A_2, %scan3A_30 : i32
      %dma_start3A = arith.constant 0 : i32
      %dma_start3A_41 = tpu.memref_slice %arg5[%add3A_40, %dma_start3A] : memref<1024x100000xf32, #tpu.memory_space<hbm>> -> memref<1x100000xf32, #tpu.memory_space<hbm>>
      %dma_start3A_42 = tpu.memref_squeeze %dma_start3A_41 : memref<1x100000xf32, #tpu.memory_space<hbm>> -> memref<100000xf32, #tpu.memory_space<hbm>>
      %dma_start3A_43 = arith.constant 0 : i32
      %dma_start3A_44 = tpu.memref_slice %arg5[%add3A_40, %dma_start3A_43] : memref<1024x100000xf32, #tpu.memory_space<hbm>> -> memref<1x100000xf32, #tpu.memory_space<hbm>>
      %dma_start3A_45 = tpu.memref_squeeze %dma_start3A_44 : memref<1x100000xf32, #tpu.memory_space<hbm>> -> memref<100000xf32, #tpu.memory_space<hbm>>
      tpu.enqueue_dma source(%arg9 : memref<100000xf32, #tpu.memory_space<vmem>>) target(%dma_start3A_45 : memref<100000xf32, #tpu.memory_space<hbm>>) target_semaphore(%arg14 : memref<!tpu.dma_semaphore, #tpu.memory_space<semaphore_mem>>)
      %swap3A_46 = arith.constant 0 : index
      %swap3A_47 = tpu.vector_load %arg10[%swap3A_46] {strides = array<i32>} : memref<16xi32, #tpu.memory_space<vmem>>, vector<16xi32>,
      tpu.vector_store %arg10[%swap3A_46], %gather3A {strides = array<i32>} : memref<16xi32, #tpu.memory_space<vmem>>, vector<16xi32>,
      %dma_start3A_48 = arith.constant 0 : i32
      %dma_start3A_49 = arith.constant 0 : i32
      %dma_start3A_50 = tpu.memref_slice %arg4[%dma_start3A_48, %dma_start3A_49] : memref<100000x128xf32, #tpu.memory_space<hbm>> -> memref<100000x128xf32, #tpu.memory_space<hbm>>
      tpu.enqueue_indirect_dma source(%dma_start3A_50 : memref<100000x128xf32, #tpu.memory_space<hbm>>) target(%arg11 : memref<16x128xf32, #tpu.memory_space<vmem>>) offsets(%arg10 : memref<16xi32, #tpu.memory_space<vmem>>) semaphore(%arg13 : memref<!tpu.dma_semaphore, #tpu.memory_space<semaphore_mem>>)
      %dma_wait3A = arith.constant 0 : i32
      %dma_wait3A_51 = arith.constant 0 : i32
      %dma_wait3A_52 = tpu.memref_slice %arg4[%dma_wait3A, %dma_wait3A_51] : memref<100000x128xf32, #tpu.memory_space<hbm>> -> memref<100000x128xf32, #tpu.memory_space<hbm>>
      tpu.wait_indirect_dma semaphore(%arg13 : memref<!tpu.dma_semaphore, #tpu.memory_space<semaphore_mem>>) src(%dma_wait3A_52 : memref<100000x128xf32, #tpu.memory_space<hbm>>) dst(%arg11 : memref<16x128xf32, #tpu.memory_space<vmem>>)
      %add3A_53 = arith.constant 0 : i32
      %add3A_54 = vector.broadcast %add3A_53 : i32 to vector<16xi32>
      %add3A_55 = arith.addi %add3A_36, %add3A_54 : vector<16xi32>
      %gather3A_56 = tpu.vector_load_idx %arg7[%add3A_55] : memref<256xf32, #tpu.memory_space<vmem>>[vector<16xi32>], vector<16xf32>,
      %add3A_57 = arith.constant 1 : i32
      %add3A_58 = vector.broadcast %add3A_57 : i32 to vector<16xi32>
      %add3A_59 = arith.addi %add3A_36, %add3A_58 : vector<16xi32>
      %gather3A_60 = tpu.vector_load_idx %arg7[%add3A_59] : memref<256xf32, #tpu.memory_space<vmem>>[vector<16xi32>], vector<16xf32>,
      %add3A_61 = arith.constant 2 : i32
      %add3A_62 = vector.broadcast %add3A_61 : i32 to vector<16xi32>
      %add3A_63 = arith.addi %add3A_36, %add3A_62 : vector<16xi32>
      %gather3A_64 = tpu.vector_load_idx %arg7[%add3A_63] : memref<256xf32, #tpu.memory_space<vmem>>[vector<16xi32>], vector<16xf32>,
      %add3A_65 = arith.constant 3 : i32
      %add3A_66 = vector.broadcast %add3A_65 : i32 to vector<16xi32>
      %add3A_67 = arith.addi %add3A_36, %add3A_66 : vector<16xi32>
      %gather3A_68 = tpu.vector_load_idx %arg7[%add3A_67] : memref<256xf32, #tpu.memory_space<vmem>>[vector<16xi32>], vector<16xf32>,
      %add3A_69 = arith.constant 4 : i32
      %add3A_70 = vector.broadcast %add3A_69 : i32 to vector<16xi32>
      %add3A_71 = arith.addi %add3A_36, %add3A_70 : vector<16xi32>
      %gather3A_72 = tpu.vector_load_idx %arg7[%add3A_71] : memref<256xf32, #tpu.memory_space<vmem>>[vector<16xi32>], vector<16xf32>,
      %add3A_73 = arith.constant 5 : i32
      %add3A_74 = vector.broadcast %add3A_73 : i32 to vector<16xi32>
      %add3A_75 = arith.addi %add3A_36, %add3A_74 : vector<16xi32>
      %gather3A_76 = tpu.vector_load_idx %arg7[%add3A_75] : memref<256xf32, #tpu.memory_space<vmem>>[vector<16xi32>], vector<16xf32>,
      %add3A_77 = arith.constant 6 : i32
      %add3A_78 = vector.broadcast %add3A_77 : i32 to vector<16xi32>
      %add3A_79 = arith.addi %add3A_36, %add3A_78 : vector<16xi32>
      %gather3A_80 = tpu.vector_load_idx %arg7[%add3A_79] : memref<256xf32, #tpu.memory_space<vmem>>[vector<16xi32>], vector<16xf32>,
      %add3A_81 = arith.constant 7 : i32
      %add3A_82 = vector.broadcast %add3A_81 : i32 to vector<16xi32>
      %add3A_83 = arith.addi %add3A_36, %add3A_82 : vector<16xi32>
      %gather3A_84 = tpu.vector_load_idx %arg7[%add3A_83] : memref<256xf32, #tpu.memory_space<vmem>>[vector<16xi32>], vector<16xf32>,
      %get3A = arith.constant 0 : i32
      %get3A_85 = arith.index_cast %get3A : i32 to index
      %get3A_86 = arith.constant 0 : index
      %get3A_87 = tpu.vector_load %arg11[%get3A_85, %get3A_86] {strides = array<i32>} : memref<16x128xf32, #tpu.memory_space<vmem>>, vector<16xf32>,
      %mul3A_88 = arith.mulf %gather3A_56, %get3A_87 : vector<16xf32>
      %get3A_89 = arith.constant 1 : i32
      %get3A_90 = arith.index_cast %get3A_89 : i32 to index
      %get3A_91 = arith.constant 0 : index
      %get3A_92 = tpu.vector_load %arg11[%get3A_90, %get3A_91] {strides = array<i32>} : memref<16x128xf32, #tpu.memory_space<vmem>>, vector<16xf32>,
      %mul3A_93 = arith.mulf %gather3A_60, %get3A_92 : vector<16xf32>
      %add3A_94 = arith.addf %mul3A_88, %mul3A_93 : vector<16xf32>
      %get3A_95 = arith.constant 2 : i32
      %get3A_96 = arith.index_cast %get3A_95 : i32 to index
      %get3A_97 = arith.constant 0 : index
      %get3A_98 = tpu.vector_load %arg11[%get3A_96, %get3A_97] {strides = array<i32>} : memref<16x128xf32, #tpu.memory_space<vmem>>, vector<16xf32>,
      %mul3A_99 = arith.mulf %gather3A_64, %get3A_98 : vector<16xf32>
      %add3A_100 = arith.addf %add3A_94, %mul3A_99 : vector<16xf32>
      %get3A_101 = arith.constant 3 : i32
      %get3A_102 = arith.index_cast %get3A_101 : i32 to index
      %get3A_103 = arith.constant 0 : index
      %get3A_104 = tpu.vector_load %arg11[%get3A_102, %get3A_103] {strides = array<i32>} : memref<16x128xf32, #tpu.memory_space<vmem>>, vector<16xf32>,
      %mul3A_105 = arith.mulf %gather3A_68, %get3A_104 : vector<16xf32>
      %add3A_106 = arith.addf %add3A_100, %mul3A_105 : vector<16xf32>
      %get3A_107 = arith.constant 4 : i32
      %get3A_108 = arith.index_cast %get3A_107 : i32 to index
      %get3A_109 = arith.constant 0 : index
      %get3A_110 = tpu.vector_load %arg11[%get3A_108, %get3A_109] {strides = array<i32>} : memref<16x128xf32, #tpu.memory_space<vmem>>, vector<16xf32>,
      %mul3A_111 = arith.mulf %gather3A_72, %get3A_110 : vector<16xf32>
      %add3A_112 = arith.addf %add3A_106, %mul3A_111 : vector<16xf32>
      %get3A_113 = arith.constant 5 : i32
      %get3A_114 = arith.index_cast %get3A_113 : i32 to index
      %get3A_115 = arith.constant 0 : index
      %get3A_116 = tpu.vector_load %arg11[%get3A_114, %get3A_115] {strides = array<i32>} : memref<16x128xf32, #tpu.memory_space<vmem>>, vector<16xf32>,
      %mul3A_117 = arith.mulf %gather3A_76, %get3A_116 : vector<16xf32>
      %add3A_118 = arith.addf %add3A_112, %mul3A_117 : vector<16xf32>
      %get3A_119 = arith.constant 6 : i32
      %get3A_120 = arith.index_cast %get3A_119 : i32 to index
      %get3A_121 = arith.constant 0 : index
      %get3A_122 = tpu.vector_load %arg11[%get3A_120, %get3A_121] {strides = array<i32>} : memref<16x128xf32, #tpu.memory_space<vmem>>, vector<16xf32>,
      %mul3A_123 = arith.mulf %gather3A_80, %get3A_122 : vector<16xf32>
      %add3A_124 = arith.addf %add3A_118, %mul3A_123 : vector<16xf32>
      %get3A_125 = arith.constant 7 : i32
      %get3A_126 = arith.index_cast %get3A_125 : i32 to index
      %get3A_127 = arith.constant 0 : index
      %get3A_128 = tpu.vector_load %arg11[%get3A_126, %get3A_127] {strides = array<i32>} : memref<16x128xf32, #tpu.memory_space<vmem>>, vector<16xf32>,
      %mul3A_129 = arith.mulf %gather3A_84, %get3A_128 : vector<16xf32>
      %add3A_130 = arith.addf %add3A_124, %mul3A_129 : vector<16xf32>
      %swap3A_131 = arith.constant 0 : index
      %swap3A_132 = tpu.vector_load %arg12[%swap3A_131] {strides = array<i32>} : memref<128xf32, #tpu.memory_space<vmem>>, vector<16xf32>,
      tpu.vector_store %arg12[%swap3A_131], %add3A_130 {strides = array<i32>} : memref<128xf32, #tpu.memory_space<vmem>>, vector<16xf32>,
      %get3A_133 = arith.constant 0 : i32
      %get3A_134 = arith.index_cast %get3A_133 : i32 to index
      %get3A_135 = arith.constant 16 : index
      %get3A_136 = tpu.vector_load %arg11[%get3A_134, %get3A_135] {strides = array<i32>} : memref<16x128xf32, #tpu.memory_space<vmem>>, vector<16xf32>,
      %mul3A_137 = arith.mulf %gather3A_56, %get3A_136 : vector<16xf32>
      %get3A_138 = arith.constant 1 : i32
      %get3A_139 = arith.index_cast %get3A_138 : i32 to index
      %get3A_140 = arith.constant 16 : index
      %get3A_141 = tpu.vector_load %arg11[%get3A_139, %get3A_140] {strides = array<i32>} : memref<16x128xf32, #tpu.memory_space<vmem>>, vector<16xf32>,
      %mul3A_142 = arith.mulf %gather3A_60, %get3A_141 : vector<16xf32>
      %add3A_143 = arith.addf %mul3A_137, %mul3A_142 : vector<16xf32>
      %get3A_144 = arith.constant 2 : i32
      %get3A_145 = arith.index_cast %get3A_144 : i32 to index
      %get3A_146 = arith.constant 16 : index
      %get3A_147 = tpu.vector_load %arg11[%get3A_145, %get3A_146] {strides = array<i32>} : memref<16x128xf32, #tpu.memory_space<vmem>>, vector<16xf32>,
      %mul3A_148 = arith.mulf %gather3A_64, %get3A_147 : vector<16xf32>
      %add3A_149 = arith.addf %add3A_143, %mul3A_148 : vector<16xf32>
      %get3A_150 = arith.constant 3 : i32
      %get3A_151 = arith.index_cast %get3A_150 : i32 to index
      %get3A_152 = arith.constant 16 : index
      %get3A_153 = tpu.vector_load %arg11[%get3A_151, %get3A_152] {strides = array<i32>} : memref<16x128xf32, #tpu.memory_space<vmem>>, vector<16xf32>,
      %mul3A_154 = arith.mulf %gather3A_68, %get3A_153 : vector<16xf32>
      %add3A_155 = arith.addf %add3A_149, %mul3A_154 : vector<16xf32>
      %get3A_156 = arith.constant 4 : i32
      %get3A_157 = arith.index_cast %get3A_156 : i32 to index
      %get3A_158 = arith.constant 16 : index
      %get3A_159 = tpu.vector_load %arg11[%get3A_157, %get3A_158] {strides = array<i32>} : memref<16x128xf32, #tpu.memory_space<vmem>>, vector<16xf32>,
      %mul3A_160 = arith.mulf %gather3A_72, %get3A_159 : vector<16xf32>
      %add3A_161 = arith.addf %add3A_155, %mul3A_160 : vector<16xf32>
      %get3A_162 = arith.constant 5 : i32
      %get3A_163 = arith.index_cast %get3A_162 : i32 to index
      %get3A_164 = arith.constant 16 : index
      %get3A_165 = tpu.vector_load %arg11[%get3A_163, %get3A_164] {strides = array<i32>} : memref<16x128xf32, #tpu.memory_space<vmem>>, vector<16xf32>,
      %mul3A_166 = arith.mulf %gather3A_76, %get3A_165 : vector<16xf32>
      %add3A_167 = arith.addf %add3A_161, %mul3A_166 : vector<16xf32>
      %get3A_168 = arith.constant 6 : i32
      %get3A_169 = arith.index_cast %get3A_168 : i32 to index
      %get3A_170 = arith.constant 16 : index
      %get3A_171 = tpu.vector_load %arg11[%get3A_169, %get3A_170] {strides = array<i32>} : memref<16x128xf32, #tpu.memory_space<vmem>>, vector<16xf32>,
      %mul3A_172 = arith.mulf %gather3A_80, %get3A_171 : vector<16xf32>
      %add3A_173 = arith.addf %add3A_167, %mul3A_172 : vector<16xf32>
      %get3A_174 = arith.constant 7 : i32
      %get3A_175 = arith.index_cast %get3A_174 : i32 to index
      %get3A_176 = arith.constant 16 : index
      %get3A_177 = tpu.vector_load %arg11[%get3A_175, %get3A_176] {strides = array<i32>} : memref<16x128xf32, #tpu.memory_space<vmem>>, vector<16xf32>,
      %mul3A_178 = arith.mulf %gather3A_84, %get3A_177 : vector<16xf32>
      %add3A_179 = arith.addf %add3A_173, %mul3A_178 : vector<16xf32>
      %swap3A_180 = arith.constant 16 : index
      %swap3A_181 = tpu.vector_load %arg12[%swap3A_180] {strides = array<i32>} : memref<128xf32, #tpu.memory_space<vmem>>, vector<16xf32>,
      tpu.vector_store %arg12[%swap3A_180], %add3A_179 {strides = array<i32>} : memref<128xf32, #tpu.memory_space<vmem>>, vector<16xf32>,
      %get3A_182 = arith.constant 0 : i32
      %get3A_183 = arith.index_cast %get3A_182 : i32 to index
      %get3A_184 = arith.constant 32 : index
      %get3A_185 = tpu.vector_load %arg11[%get3A_183, %get3A_184] {strides = array<i32>} : memref<16x128xf32, #tpu.memory_space<vmem>>, vector<16xf32>,
      %mul3A_186 = arith.mulf %gather3A_56, %get3A_185 : vector<16xf32>
      %get3A_187 = arith.constant 1 : i32
      %get3A_188 = arith.index_cast %get3A_187 : i32 to index
      %get3A_189 = arith.constant 32 : index
      %get3A_190 = tpu.vector_load %arg11[%get3A_188, %get3A_189] {strides = array<i32>} : memref<16x128xf32, #tpu.memory_space<vmem>>, vector<16xf32>,
      %mul3A_191 = arith.mulf %gather3A_60, %get3A_190 : vector<16xf32>
      %add3A_192 = arith.addf %mul3A_186, %mul3A_191 : vector<16xf32>
      %get3A_193 = arith.constant 2 : i32
      %get3A_194 = arith.index_cast %get3A_193 : i32 to index
      %get3A_195 = arith.constant 32 : index
      %get3A_196 = tpu.vector_load %arg11[%get3A_194, %get3A_195] {strides = array<i32>} : memref<16x128xf32, #tpu.memory_space<vmem>>, vector<16xf32>,
      %mul3A_197 = arith.mulf %gather3A_64, %get3A_196 : vector<16xf32>
      %add3A_198 = arith.addf %add3A_192, %mul3A_197 : vector<16xf32>
      %get3A_199 = arith.constant 3 : i32
      %get3A_200 = arith.index_cast %get3A_199 : i32 to index
      %get3A_201 = arith.constant 32 : index
      %get3A_202 = tpu.vector_load %arg11[%get3A_200, %get3A_201] {strides = array<i32>} : memref<16x128xf32, #tpu.memory_space<vmem>>, vector<16xf32>,
      %mul3A_203 = arith.mulf %gather3A_68, %get3A_202 : vector<16xf32>
      %add3A_204 = arith.addf %add3A_198, %mul3A_203 : vector<16xf32>
      %get3A_205 = arith.constant 4 : i32
      %get3A_206 = arith.index_cast %get3A_205 : i32 to index
      %get3A_207 = arith.constant 32 : index
      %get3A_208 = tpu.vector_load %arg11[%get3A_206, %get3A_207] {strides = array<i32>} : memref<16x128xf32, #tpu.memory_space<vmem>>, vector<16xf32>,
      %mul3A_209 = arith.mulf %gather3A_72, %get3A_208 : vector<16xf32>
      %add3A_210 = arith.addf %add3A_204, %mul3A_209 : vector<16xf32>
      %get3A_211 = arith.constant 5 : i32
      %get3A_212 = arith.index_cast %get3A_211 : i32 to index
      %get3A_213 = arith.constant 32 : index
      %get3A_214 = tpu.vector_load %arg11[%get3A_212, %get3A_213] {strides = array<i32>} : memref<16x128xf32, #tpu.memory_space<vmem>>, vector<16xf32>,
      %mul3A_215 = arith.mulf %gather3A_76, %get3A_214 : vector<16xf32>
      %add3A_216 = arith.addf %add3A_210, %mul3A_215 : vector<16xf32>
      %get3A_217 = arith.constant 6 : i32
      %get3A_218 = arith.index_cast %get3A_217 : i32 to index
      %get3A_219 = arith.constant 32 : index
      %get3A_220 = tpu.vector_load %arg11[%get3A_218, %get3A_219] {strides = array<i32>} : memref<16x128xf32, #tpu.memory_space<vmem>>, vector<16xf32>,
      %mul3A_221 = arith.mulf %gather3A_80, %get3A_220 : vector<16xf32>
      %add3A_222 = arith.addf %add3A_216, %mul3A_221 : vector<16xf32>
      %get3A_223 = arith.constant 7 : i32
      %get3A_224 = arith.index_cast %get3A_223 : i32 to index
      %get3A_225 = arith.constant 32 : index
      %get3A_226 = tpu.vector_load %arg11[%get3A_224, %get3A_225] {strides = array<i32>} : memref<16x128xf32, #tpu.memory_space<vmem>>, vector<16xf32>,
      %mul3A_227 = arith.mulf %gather3A_84, %get3A_226 : vector<16xf32>
      %add3A_228 = arith.addf %add3A_222, %mul3A_227 : vector<16xf32>
      %swap3A_229 = arith.constant 32 : index
      %swap3A_230 = tpu.vector_load %arg12[%swap3A_229] {strides = array<i32>} : memref<128xf32, #tpu.memory_space<vmem>>, vector<16xf32>,
      tpu.vector_store %arg12[%swap3A_229], %add3A_228 {strides = array<i32>} : memref<128xf32, #tpu.memory_space<vmem>>, vector<16xf32>,
      %get3A_231 = arith.constant 0 : i32
      %get3A_232 = arith.index_cast %get3A_231 : i32 to index
      %get3A_233 = arith.constant 48 : index
      %get3A_234 = tpu.vector_load %arg11[%get3A_232, %get3A_233] {strides = array<i32>} : memref<16x128xf32, #tpu.memory_space<vmem>>, vector<16xf32>,
      %mul3A_235 = arith.mulf %gather3A_56, %get3A_234 : vector<16xf32>
      %get3A_236 = arith.constant 1 : i32
      %get3A_237 = arith.index_cast %get3A_236 : i32 to index
      %get3A_238 = arith.constant 48 : index
      %get3A_239 = tpu.vector_load %arg11[%get3A_237, %get3A_238] {strides = array<i32>} : memref<16x128xf32, #tpu.memory_space<vmem>>, vector<16xf32>,
      %mul3A_240 = arith.mulf %gather3A_60, %get3A_239 : vector<16xf32>
      %add3A_241 = arith.addf %mul3A_235, %mul3A_240 : vector<16xf32>
      %get3A_242 = arith.constant 2 : i32
      %get3A_243 = arith.index_cast %get3A_242 : i32 to index
      %get3A_244 = arith.constant 48 : index
      %get3A_245 = tpu.vector_load %arg11[%get3A_243, %get3A_244] {strides = array<i32>} : memref<16x128xf32, #tpu.memory_space<vmem>>, vector<16xf32>,
      %mul3A_246 = arith.mulf %gather3A_64, %get3A_245 : vector<16xf32>
      %add3A_247 = arith.addf %add3A_241, %mul3A_246 : vector<16xf32>
      %get3A_248 = arith.constant 3 : i32
      %get3A_249 = arith.index_cast %get3A_248 : i32 to index
      %get3A_250 = arith.constant 48 : index
      %get3A_251 = tpu.vector_load %arg11[%get3A_249, %get3A_250] {strides = array<i32>} : memref<16x128xf32, #tpu.memory_space<vmem>>, vector<16xf32>,
      %mul3A_252 = arith.mulf %gather3A_68, %get3A_251 : vector<16xf32>
      %add3A_253 = arith.addf %add3A_247, %mul3A_252 : vector<16xf32>
      %get3A_254 = arith.constant 4 : i32
      %get3A_255 = arith.index_cast %get3A_254 : i32 to index
      %get3A_256 = arith.constant 48 : index
      %get3A_257 = tpu.vector_load %arg11[%get3A_255, %get3A_256] {strides = array<i32>} : memref<16x128xf32, #tpu.memory_space<vmem>>, vector<16xf32>,
      %mul3A_258 = arith.mulf %gather3A_72, %get3A_257 : vector<16xf32>
      %add3A_259 = arith.addf %add3A_253, %mul3A_258 : vector<16xf32>
      %get3A_260 = arith.constant 5 : i32
      %get3A_261 = arith.index_cast %get3A_260 : i32 to index
      %get3A_262 = arith.constant 48 : index
      %get3A_263 = tpu.vector_load %arg11[%get3A_261, %get3A_262] {strides = array<i32>} : memref<16x128xf32, #tpu.memory_space<vmem>>, vector<16xf32>,
      %mul3A_264 = arith.mulf %gather3A_76, %get3A_263 : vector<16xf32>
      %add3A_265 = arith.addf %add3A_259, %mul3A_264 : vector<16xf32>
      %get3A_266 = arith.constant 6 : i32
      %get3A_267 = arith.index_cast %get3A_266 : i32 to index
      %get3A_268 = arith.constant 48 : index
      %get3A_269 = tpu.vector_load %arg11[%get3A_267, %get3A_268] {strides = array<i32>} : memref<16x128xf32, #tpu.memory_space<vmem>>, vector<16xf32>,
      %mul3A_270 = arith.mulf %gather3A_80, %get3A_269 : vector<16xf32>
      %add3A_271 = arith.addf %add3A_265, %mul3A_270 : vector<16xf32>
      %get3A_272 = arith.constant 7 : i32
      %get3A_273 = arith.index_cast %get3A_272 : i32 to index
      %get3A_274 = arith.constant 48 : index
      %get3A_275 = tpu.vector_load %arg11[%get3A_273, %get3A_274] {strides = array<i32>} : memref<16x128xf32, #tpu.memory_space<vmem>>, vector<16xf32>,
      %mul3A_276 = arith.mulf %gather3A_84, %get3A_275 : vector<16xf32>
      %add3A_277 = arith.addf %add3A_271, %mul3A_276 : vector<16xf32>
      %swap3A_278 = arith.constant 48 : index
      %swap3A_279 = tpu.vector_load %arg12[%swap3A_278] {strides = array<i32>} : memref<128xf32, #tpu.memory_space<vmem>>, vector<16xf32>,
      tpu.vector_store %arg12[%swap3A_278], %add3A_277 {strides = array<i32>} : memref<128xf32, #tpu.memory_space<vmem>>, vector<16xf32>,
      %get3A_280 = arith.constant 0 : i32
      %get3A_281 = arith.index_cast %get3A_280 : i32 to index
      %get3A_282 = arith.constant 64 : index
      %get3A_283 = tpu.vector_load %arg11[%get3A_281, %get3A_282] {strides = array<i32>} : memref<16x128xf32, #tpu.memory_space<vmem>>, vector<16xf32>,
      %mul3A_284 = arith.mulf %gather3A_56, %get3A_283 : vector<16xf32>
      %get3A_285 = arith.constant 1 : i32
      %get3A_286 = arith.index_cast %get3A_285 : i32 to index
      %get3A_287 = arith.constant 64 : index
      %get3A_288 = tpu.vector_load %arg11[%get3A_286, %get3A_287] {strides = array<i32>} : memref<16x128xf32, #tpu.memory_space<vmem>>, vector<16xf32>,
      %mul3A_289 = arith.mulf %gather3A_60, %get3A_288 : vector<16xf32>
      %add3A_290 = arith.addf %mul3A_284, %mul3A_289 : vector<16xf32>
      %get3A_291 = arith.constant 2 : i32
      %get3A_292 = arith.index_cast %get3A_291 : i32 to index
      %get3A_293 = arith.constant 64 : index
      %get3A_294 = tpu.vector_load %arg11[%get3A_292, %get3A_293] {strides = array<i32>} : memref<16x128xf32, #tpu.memory_space<vmem>>, vector<16xf32>,
      %mul3A_295 = arith.mulf %gather3A_64, %get3A_294 : vector<16xf32>
      %add3A_296 = arith.addf %add3A_290, %mul3A_295 : vector<16xf32>
      %get3A_297 = arith.constant 3 : i32
      %get3A_298 = arith.index_cast %get3A_297 : i32 to index
      %get3A_299 = arith.constant 64 : index
      %get3A_300 = tpu.vector_load %arg11[%get3A_298, %get3A_299] {strides = array<i32>} : memref<16x128xf32, #tpu.memory_space<vmem>>, vector<16xf32>,
      %mul3A_301 = arith.mulf %gather3A_68, %get3A_300 : vector<16xf32>
      %add3A_302 = arith.addf %add3A_296, %mul3A_301 : vector<16xf32>
      %get3A_303 = arith.constant 4 : i32
      %get3A_304 = arith.index_cast %get3A_303 : i32 to index
      %get3A_305 = arith.constant 64 : index
      %get3A_306 = tpu.vector_load %arg11[%get3A_304, %get3A_305] {strides = array<i32>} : memref<16x128xf32, #tpu.memory_space<vmem>>, vector<16xf32>,
      %mul3A_307 = arith.mulf %gather3A_72, %get3A_306 : vector<16xf32>
      %add3A_308 = arith.addf %add3A_302, %mul3A_307 : vector<16xf32>
      %get3A_309 = arith.constant 5 : i32
      %get3A_310 = arith.index_cast %get3A_309 : i32 to index
      %get3A_311 = arith.constant 64 : index
      %get3A_312 = tpu.vector_load %arg11[%get3A_310, %get3A_311] {strides = array<i32>} : memref<16x128xf32, #tpu.memory_space<vmem>>, vector<16xf32>,
      %mul3A_313 = arith.mulf %gather3A_76, %get3A_312 : vector<16xf32>
      %add3A_314 = arith.addf %add3A_308, %mul3A_313 : vector<16xf32>
      %get3A_315 = arith.constant 6 : i32
      %get3A_316 = arith.index_cast %get3A_315 : i32 to index
      %get3A_317 = arith.constant 64 : index
      %get3A_318 = tpu.vector_load %arg11[%get3A_316, %get3A_317] {strides = array<i32>} : memref<16x128xf32, #tpu.memory_space<vmem>>, vector<16xf32>,
      %mul3A_319 = arith.mulf %gather3A_80, %get3A_318 : vector<16xf32>
      %add3A_320 = arith.addf %add3A_314, %mul3A_319 : vector<16xf32>
      %get3A_321 = arith.constant 7 : i32
      %get3A_322 = arith.index_cast %get3A_321 : i32 to index
      %get3A_323 = arith.constant 64 : index
      %get3A_324 = tpu.vector_load %arg11[%get3A_322, %get3A_323] {strides = array<i32>} : memref<16x128xf32, #tpu.memory_space<vmem>>, vector<16xf32>,
      %mul3A_325 = arith.mulf %gather3A_84, %get3A_324 : vector<16xf32>
      %add3A_326 = arith.addf %add3A_320, %mul3A_325 : vector<16xf32>
      %swap3A_327 = arith.constant 64 : index
      %swap3A_328 = tpu.vector_load %arg12[%swap3A_327] {strides = array<i32>} : memref<128xf32, #tpu.memory_space<vmem>>, vector<16xf32>,
      tpu.vector_store %arg12[%swap3A_327], %add3A_326 {strides = array<i32>} : memref<128xf32, #tpu.memory_space<vmem>>, vector<16xf32>,
      %get3A_329 = arith.constant 0 : i32
      %get3A_330 = arith.index_cast %get3A_329 : i32 to index
      %get3A_331 = arith.constant 80 : index
      %get3A_332 = tpu.vector_load %arg11[%get3A_330, %get3A_331] {strides = array<i32>} : memref<16x128xf32, #tpu.memory_space<vmem>>, vector<16xf32>,
      %mul3A_333 = arith.mulf %gather3A_56, %get3A_332 : vector<16xf32>
      %get3A_334 = arith.constant 1 : i32
      %get3A_335 = arith.index_cast %get3A_334 : i32 to index
      %get3A_336 = arith.constant 80 : index
      %get3A_337 = tpu.vector_load %arg11[%get3A_335, %get3A_336] {strides = array<i32>} : memref<16x128xf32, #tpu.memory_space<vmem>>, vector<16xf32>,
      %mul3A_338 = arith.mulf %gather3A_60, %get3A_337 : vector<16xf32>
      %add3A_339 = arith.addf %mul3A_333, %mul3A_338 : vector<16xf32>
      %get3A_340 = arith.constant 2 : i32
      %get3A_341 = arith.index_cast %get3A_340 : i32 to index
      %get3A_342 = arith.constant 80 : index
      %get3A_343 = tpu.vector_load %arg11[%get3A_341, %get3A_342] {strides = array<i32>} : memref<16x128xf32, #tpu.memory_space<vmem>>, vector<16xf32>,
      %mul3A_344 = arith.mulf %gather3A_64, %get3A_343 : vector<16xf32>
      %add3A_345 = arith.addf %add3A_339, %mul3A_344 : vector<16xf32>
      %get3A_346 = arith.constant 3 : i32
      %get3A_347 = arith.index_cast %get3A_346 : i32 to index
      %get3A_348 = arith.constant 80 : index
      %get3A_349 = tpu.vector_load %arg11[%get3A_347, %get3A_348] {strides = array<i32>} : memref<16x128xf32, #tpu.memory_space<vmem>>, vector<16xf32>,
      %mul3A_350 = arith.mulf %gather3A_68, %get3A_349 : vector<16xf32>
      %add3A_351 = arith.addf %add3A_345, %mul3A_350 : vector<16xf32>
      %get3A_352 = arith.constant 4 : i32
      %get3A_353 = arith.index_cast %get3A_352 : i32 to index
      %get3A_354 = arith.constant 80 : index
      %get3A_355 = tpu.vector_load %arg11[%get3A_353, %get3A_354] {strides = array<i32>} : memref<16x128xf32, #tpu.memory_space<vmem>>, vector<16xf32>,
      %mul3A_356 = arith.mulf %gather3A_72, %get3A_355 : vector<16xf32>
      %add3A_357 = arith.addf %add3A_351, %mul3A_356 : vector<16xf32>
      %get3A_358 = arith.constant 5 : i32
      %get3A_359 = arith.index_cast %get3A_358 : i32 to index
      %get3A_360 = arith.constant 80 : index
      %get3A_361 = tpu.vector_load %arg11[%get3A_359, %get3A_360] {strides = array<i32>} : memref<16x128xf32, #tpu.memory_space<vmem>>, vector<16xf32>,
      %mul3A_362 = arith.mulf %gather3A_76, %get3A_361 : vector<16xf32>
      %add3A_363 = arith.addf %add3A_357, %mul3A_362 : vector<16xf32>
      %get3A_364 = arith.constant 6 : i32
      %get3A_365 = arith.index_cast %get3A_364 : i32 to index
      %get3A_366 = arith.constant 80 : index
      %get3A_367 = tpu.vector_load %arg11[%get3A_365, %get3A_366] {strides = array<i32>} : memref<16x128xf32, #tpu.memory_space<vmem>>, vector<16xf32>,
      %mul3A_368 = arith.mulf %gather3A_80, %get3A_367 : vector<16xf32>
      %add3A_369 = arith.addf %add3A_363, %mul3A_368 : vector<16xf32>
      %get3A_370 = arith.constant 7 : i32
      %get3A_371 = arith.index_cast %get3A_370 : i32 to index
      %get3A_372 = arith.constant 80 : index
      %get3A_373 = tpu.vector_load %arg11[%get3A_371, %get3A_372] {strides = array<i32>} : memref<16x128xf32, #tpu.memory_space<vmem>>, vector<16xf32>,
      %mul3A_374 = arith.mulf %gather3A_84, %get3A_373 : vector<16xf32>
      %add3A_375 = arith.addf %add3A_369, %mul3A_374 : vector<16xf32>
      %swap3A_376 = arith.constant 80 : index
      %swap3A_377 = tpu.vector_load %arg12[%swap3A_376] {strides = array<i32>} : memref<128xf32, #tpu.memory_space<vmem>>, vector<16xf32>,
      tpu.vector_store %arg12[%swap3A_376], %add3A_375 {strides = array<i32>} : memref<128xf32, #tpu.memory_space<vmem>>, vector<16xf32>,
      %get3A_378 = arith.constant 0 : i32
      %get3A_379 = arith.index_cast %get3A_378 : i32 to index
      %get3A_380 = arith.constant 96 : index
      %get3A_381 = tpu.vector_load %arg11[%get3A_379, %get3A_380] {strides = array<i32>} : memref<16x128xf32, #tpu.memory_space<vmem>>, vector<16xf32>,
      %mul3A_382 = arith.mulf %gather3A_56, %get3A_381 : vector<16xf32>
      %get3A_383 = arith.constant 1 : i32
      %get3A_384 = arith.index_cast %get3A_383 : i32 to index
      %get3A_385 = arith.constant 96 : index
      %get3A_386 = tpu.vector_load %arg11[%get3A_384, %get3A_385] {strides = array<i32>} : memref<16x128xf32, #tpu.memory_space<vmem>>, vector<16xf32>,
      %mul3A_387 = arith.mulf %gather3A_60, %get3A_386 : vector<16xf32>
      %add3A_388 = arith.addf %mul3A_382, %mul3A_387 : vector<16xf32>
      %get3A_389 = arith.constant 2 : i32
      %get3A_390 = arith.index_cast %get3A_389 : i32 to index
      %get3A_391 = arith.constant 96 : index
      %get3A_392 = tpu.vector_load %arg11[%get3A_390, %get3A_391] {strides = array<i32>} : memref<16x128xf32, #tpu.memory_space<vmem>>, vector<16xf32>,
      %mul3A_393 = arith.mulf %gather3A_64, %get3A_392 : vector<16xf32>
      %add3A_394 = arith.addf %add3A_388, %mul3A_393 : vector<16xf32>
      %get3A_395 = arith.constant 3 : i32
      %get3A_396 = arith.index_cast %get3A_395 : i32 to index
      %get3A_397 = arith.constant 96 : index
      %get3A_398 = tpu.vector_load %arg11[%get3A_396, %get3A_397] {strides = array<i32>} : memref<16x128xf32, #tpu.memory_space<vmem>>, vector<16xf32>,
      %mul3A_399 = arith.mulf %gather3A_68, %get3A_398 : vector<16xf32>
      %add3A_400 = arith.addf %add3A_394, %mul3A_399 : vector<16xf32>
      %get3A_401 = arith.constant 4 : i32
      %get3A_402 = arith.index_cast %get3A_401 : i32 to index
      %get3A_403 = arith.constant 96 : index
      %get3A_404 = tpu.vector_load %arg11[%get3A_402, %get3A_403] {strides = array<i32>} : memref<16x128xf32, #tpu.memory_space<vmem>>, vector<16xf32>,
      %mul3A_405 = arith.mulf %gather3A_72, %get3A_404 : vector<16xf32>
      %add3A_406 = arith.addf %add3A_400, %mul3A_405 : vector<16xf32>
      %get3A_407 = arith.constant 5 : i32
      %get3A_408 = arith.index_cast %get3A_407 : i32 to index
      %get3A_409 = arith.constant 96 : index
      %get3A_410 = tpu.vector_load %arg11[%get3A_408, %get3A_409] {strides = array<i32>} : memref<16x128xf32, #tpu.memory_space<vmem>>, vector<16xf32>,
      %mul3A_411 = arith.mulf %gather3A_76, %get3A_410 : vector<16xf32>
      %add3A_412 = arith.addf %add3A_406, %mul3A_411 : vector<16xf32>
      %get3A_413 = arith.constant 6 : i32
      %get3A_414 = arith.index_cast %get3A_413 : i32 to index
      %get3A_415 = arith.constant 96 : index
      %get3A_416 = tpu.vector_load %arg11[%get3A_414, %get3A_415] {strides = array<i32>} : memref<16x128xf32, #tpu.memory_space<vmem>>, vector<16xf32>,
      %mul3A_417 = arith.mulf %gather3A_80, %get3A_416 : vector<16xf32>
      %add3A_418 = arith.addf %add3A_412, %mul3A_417 : vector<16xf32>
      %get3A_419 = arith.constant 7 : i32
      %get3A_420 = arith.index_cast %get3A_419 : i32 to index
      %get3A_421 = arith.constant 96 : index
      %get3A_422 = tpu.vector_load %arg11[%get3A_420, %get3A_421] {strides = array<i32>} : memref<16x128xf32, #tpu.memory_space<vmem>>, vector<16xf32>,
      %mul3A_423 = arith.mulf %gather3A_84, %get3A_422 : vector<16xf32>
      %add3A_424 = arith.addf %add3A_418, %mul3A_423 : vector<16xf32>
      %swap3A_425 = arith.constant 96 : index
      %swap3A_426 = tpu.vector_load %arg12[%swap3A_425] {strides = array<i32>} : memref<128xf32, #tpu.memory_space<vmem>>, vector<16xf32>,
      tpu.vector_store %arg12[%swap3A_425], %add3A_424 {strides = array<i32>} : memref<128xf32, #tpu.memory_space<vmem>>, vector<16xf32>,
      %get3A_427 = arith.constant 0 : i32
      %get3A_428 = arith.index_cast %get3A_427 : i32 to index
      %get3A_429 = arith.constant 112 : index
      %get3A_430 = tpu.vector_load %arg11[%get3A_428, %get3A_429] {strides = array<i32>} : memref<16x128xf32, #tpu.memory_space<vmem>>, vector<16xf32>,
      %mul3A_431 = arith.mulf %gather3A_56, %get3A_430 : vector<16xf32>
      %get3A_432 = arith.constant 1 : i32
      %get3A_433 = arith.index_cast %get3A_432 : i32 to index
      %get3A_434 = arith.constant 112 : index
      %get3A_435 = tpu.vector_load %arg11[%get3A_433, %get3A_434] {strides = array<i32>} : memref<16x128xf32, #tpu.memory_space<vmem>>, vector<16xf32>,
      %mul3A_436 = arith.mulf %gather3A_60, %get3A_435 : vector<16xf32>
      %add3A_437 = arith.addf %mul3A_431, %mul3A_436 : vector<16xf32>
      %get3A_438 = arith.constant 2 : i32
      %get3A_439 = arith.index_cast %get3A_438 : i32 to index
      %get3A_440 = arith.constant 112 : index
      %get3A_441 = tpu.vector_load %arg11[%get3A_439, %get3A_440] {strides = array<i32>} : memref<16x128xf32, #tpu.memory_space<vmem>>, vector<16xf32>,
      %mul3A_442 = arith.mulf %gather3A_64, %get3A_441 : vector<16xf32>
      %add3A_443 = arith.addf %add3A_437, %mul3A_442 : vector<16xf32>
      %get3A_444 = arith.constant 3 : i32
      %get3A_445 = arith.index_cast %get3A_444 : i32 to index
      %get3A_446 = arith.constant 112 : index
      %get3A_447 = tpu.vector_load %arg11[%get3A_445, %get3A_446] {strides = array<i32>} : memref<16x128xf32, #tpu.memory_space<vmem>>, vector<16xf32>,
      %mul3A_448 = arith.mulf %gather3A_68, %get3A_447 : vector<16xf32>
      %add3A_449 = arith.addf %add3A_443, %mul3A_448 : vector<16xf32>
      %get3A_450 = arith.constant 4 : i32
      %get3A_451 = arith.index_cast %get3A_450 : i32 to index
      %get3A_452 = arith.constant 112 : index
      %get3A_453 = tpu.vector_load %arg11[%get3A_451, %get3A_452] {strides = array<i32>} : memref<16x128xf32, #tpu.memory_space<vmem>>, vector<16xf32>,
      %mul3A_454 = arith.mulf %gather3A_72, %get3A_453 : vector<16xf32>
      %add3A_455 = arith.addf %add3A_449, %mul3A_454 : vector<16xf32>
      %get3A_456 = arith.constant 5 : i32
      %get3A_457 = arith.index_cast %get3A_456 : i32 to index
      %get3A_458 = arith.constant 112 : index
      %get3A_459 = tpu.vector_load %arg11[%get3A_457, %get3A_458] {strides = array<i32>} : memref<16x128xf32, #tpu.memory_space<vmem>>, vector<16xf32>,
      %mul3A_460 = arith.mulf %gather3A_76, %get3A_459 : vector<16xf32>
      %add3A_461 = arith.addf %add3A_455, %mul3A_460 : vector<16xf32>
      %get3A_462 = arith.constant 6 : i32
      %get3A_463 = arith.index_cast %get3A_462 : i32 to index
      %get3A_464 = arith.constant 112 : index
      %get3A_465 = tpu.vector_load %arg11[%get3A_463, %get3A_464] {strides = array<i32>} : memref<16x128xf32, #tpu.memory_space<vmem>>, vector<16xf32>,
      %mul3A_466 = arith.mulf %gather3A_80, %get3A_465 : vector<16xf32>
      %add3A_467 = arith.addf %add3A_461, %mul3A_466 : vector<16xf32>
      %get3A_468 = arith.constant 7 : i32
      %get3A_469 = arith.index_cast %get3A_468 : i32 to index
      %get3A_470 = arith.constant 112 : index
      %get3A_471 = tpu.vector_load %arg11[%get3A_469, %get3A_470] {strides = array<i32>} : memref<16x128xf32, #tpu.memory_space<vmem>>, vector<16xf32>,
      %mul3A_472 = arith.mulf %gather3A_84, %get3A_471 : vector<16xf32>
      %add3A_473 = arith.addf %add3A_467, %mul3A_472 : vector<16xf32>
      %swap3A_474 = arith.constant 112 : index
      %swap3A_475 = tpu.vector_load %arg12[%swap3A_474] {strides = array<i32>} : memref<128xf32, #tpu.memory_space<vmem>>, vector<16xf32>,
      tpu.vector_store %arg12[%swap3A_474], %add3A_473 {strides = array<i32>} : memref<128xf32, #tpu.memory_space<vmem>>, vector<16xf32>,
      %add3A_476 = arith.addi %mul3A_2, %scan3A_30 : i32
      "tpu.region"() ({
        %run_scoped3A = tpu.sem_alloc : memref<!tpu.dma_semaphore, #tpu.memory_space<semaphore_mem>>
        %dma_start3A_483 = arith.constant 0 : i32
        %dma_start3A_484 = tpu.memref_slice %arg6[%add3A_476, %dma_start3A_483] : memref<1024x128xf32, #tpu.memory_space<hbm>> -> memref<1x128xf32, #tpu.memory_space<hbm>>
        %dma_start3A_485 = tpu.memref_squeeze %dma_start3A_484 : memref<1x128xf32, #tpu.memory_space<hbm>> -> memref<128xf32, #tpu.memory_space<hbm>>
        %dma_start3A_486 = arith.constant 0 : i32
        %dma_start3A_487 = tpu.memref_slice %arg6[%add3A_476, %dma_start3A_486] : memref<1024x128xf32, #tpu.memory_space<hbm>> -> memref<1x128xf32, #tpu.memory_space<hbm>>
        %dma_start3A_488 = tpu.memref_squeeze %dma_start3A_487 : memref<1x128xf32, #tpu.memory_space<hbm>> -> memref<128xf32, #tpu.memory_space<hbm>>
        tpu.enqueue_dma source(%arg12 : memref<128xf32, #tpu.memory_space<vmem>>) target(%dma_start3A_488 : memref<128xf32, #tpu.memory_space<hbm>>) target_semaphore(%run_scoped3A : memref<!tpu.dma_semaphore, #tpu.memory_space<semaphore_mem>>)
        %dma_wait3A_489 = arith.constant 0 : i32
        %dma_wait3A_490 = tpu.memref_slice %arg6[%add3A_476, %dma_wait3A_489] : memref<1024x128xf32, #tpu.memory_space<hbm>> -> memref<1x128xf32, #tpu.memory_space<hbm>>
        %dma_wait3A_491 = tpu.memref_squeeze %dma_wait3A_490 : memref<1x128xf32, #tpu.memory_space<hbm>> -> memref<128xf32, #tpu.memory_space<hbm>>
        %dma_wait3A_492 = arith.constant 0 : i32
        %dma_wait3A_493 = tpu.memref_slice %arg6[%add3A_476, %dma_wait3A_492] : memref<1024x128xf32, #tpu.memory_space<hbm>> -> memref<1x128xf32, #tpu.memory_space<hbm>>
        %dma_wait3A_494 = tpu.memref_squeeze %dma_wait3A_493 : memref<1x128xf32, #tpu.memory_space<hbm>> -> memref<128xf32, #tpu.memory_space<hbm>>
        tpu.wait_dma2 semaphore(%run_scoped3A : memref<!tpu.dma_semaphore, #tpu.memory_space<semaphore_mem>>) src(%arg12 : memref<128xf32, #tpu.memory_space<vmem>>) dst(%dma_wait3A_494 : memref<128xf32, #tpu.memory_space<hbm>>)
        tpu.yield
      }) : () -> ()
      %dma_wait3A_477 = arith.constant 0 : i32
      %dma_wait3A_478 = tpu.memref_slice %arg5[%add3A_40, %dma_wait3A_477] : memref<1024x100000xf32, #tpu.memory_space<hbm>> -> memref<1x100000xf32, #tpu.memory_space<hbm>>
      %dma_wait3A_479 = tpu.memref_squeeze %dma_wait3A_478 : memref<1x100000xf32, #tpu.memory_space<hbm>> -> memref<100000xf32, #tpu.memory_space<hbm>>
      %dma_wait3A_480 = arith.constant 0 : i32
      %dma_wait3A_481 = tpu.memref_slice %arg5[%add3A_40, %dma_wait3A_480] : memref<1024x100000xf32, #tpu.memory_space<hbm>> -> memref<1x100000xf32, #tpu.memory_space<hbm>>
      %dma_wait3A_482 = tpu.memref_squeeze %dma_wait3A_481 : memref<1x100000xf32, #tpu.memory_space<hbm>> -> memref<100000xf32, #tpu.memory_space<hbm>>
      tpu.wait_dma2 semaphore(%arg14 : memref<!tpu.dma_semaphore, #tpu.memory_space<semaphore_mem>>) src(%arg9 : memref<100000xf32, #tpu.memory_space<vmem>>) dst(%dma_wait3A_482 : memref<100000xf32, #tpu.memory_space<hbm>>)
      tpu.vector_store_idx %arg9[%gather3A], %broadcast_in_dim3A_23 masked %lt3A_21 : memref<100000xf32, #tpu.memory_space<vmem>>[vector<16xi32>], vector<16xf32>, vector<16xi1>
    }
    %scan3A_29 = arith.constant 32 : i32
    return
  }
}

module attributes {stable_mosaic.version = 14 : i64} {
  func.func @_topk_tc_body(%arg0: i32, %arg1: memref<1024x128xf32, #tpu.memory_space<vmem>>, %arg2: memref<1000x128xf32, #tpu.memory_space<vmem>>, %arg3: memref<1024x8xf32, #tpu.memory_space<vmem>>, %arg4: memref<1024x8xi32, #tpu.memory_space<vmem>>, %arg5: memref<1024x128xf32, #tpu.memory_space<vmem>>, %arg6: memref<1024x8xf32, #tpu.memory_space<vmem>>, %arg7: memref<1024x8xf32, #tpu.memory_space<vmem>>, %arg8: memref<1024x1000xf32, #tpu.memory_space<vmem>>, %arg9: memref<1024x80xf32, #tpu.memory_space<vmem>>, %arg10: memref<1024x80xf32, #tpu.memory_space<vmem>>, %arg11: memref<1024x8xf32, #tpu.memory_space<vmem>>, %arg12: memref<1024x8xf32, #tpu.memory_space<vmem>>) attributes {dimension_semantics = [#tpu.dimension_semantics<arbitrary>], iteration_bounds = array<i64: 100>, scalar_prefetch = 0 : i64, scratch_operands = 8 : i64, tpu.core_type = #tpu.core_type<tc>, window_params = [{pipeline_mode = #tpu.pipeline_mode<synchronous>, transform_indices = @transform_0, window_bounds = array<i64: 1024, 128>}, {transform_indices = @transform_1, window_bounds = array<i64: 1000, 128>}, {pipeline_mode = #tpu.pipeline_mode<synchronous>, transform_indices = @transform_2, window_bounds = array<i64: 1024, 8>}, {pipeline_mode = #tpu.pipeline_mode<synchronous>, transform_indices = @transform_3, window_bounds = array<i64: 1024, 8>}]} {
    %eq3A = arith.constant 0 : i32
    %eq3A_0 = arith.cmpi eq, %arg0, %eq3A : i32
    %convert_element_type3A = arith.extui %eq3A_0 : i1 to i32
    %cond3A = arith.constant 0 : i32
    %cond3A_1 = arith.cmpi ne, %convert_element_type3A, %cond3A : i32
    scf.if %cond3A_1 {
      %get3A_255 = arith.constant 0 : index
      %get3A_256 = arith.constant 0 : index
      %get3A_257 = vector.load %arg1[%get3A_255, %get3A_256] : memref<1024x128xf32, #tpu.memory_space<vmem>>, vector<1024x128xf32>
      %mul3A_258 = arith.mulf %get3A_257, %get3A_257 : vector<1024x128xf32>
      %reduce_sum3A_259 = arith.constant dense<0.000000e+00> : vector<1024xf32>
      %reduce_sum3A_260 = vector.multi_reduction <add>, %mul3A_258, %reduce_sum3A_259 [1] : vector<1024x128xf32> to vector<1024xf32>
      %broadcast_in_dim3A_261 = vector.shape_cast %reduce_sum3A_260 : vector<1024xf32> to vector<1024x1xf32>
      %sqrt3A = math.sqrt %broadcast_in_dim3A_261 : vector<1024x1xf32>
      %max3A_262 = arith.constant 9.99999996E-13 : f32
      %max3A_263 = vector.broadcast %max3A_262 : f32 to vector<1024x1xf32>
      %max3A_264 = arith.maximumf %sqrt3A, %max3A_263 : vector<1024x1xf32>
      %div3A = vector.broadcast %max3A_264 : vector<1024x1xf32> to vector<1024x128xf32>
      %div3A_265 = arith.divf %get3A_257, %div3A : vector<1024x128xf32>
      %swap3A_266 = arith.constant 0 : index
      %swap3A_267 = arith.constant 0 : index
      %swap3A_268 = vector.load %arg5[%swap3A_266, %swap3A_267] : memref<1024x128xf32, #tpu.memory_space<vmem>>, vector<1024x128xf32>
      tpu.vector_store %arg5[%swap3A_266, %swap3A_267], %div3A_265 {strides = array<i32>} : memref<1024x128xf32, #tpu.memory_space<vmem>>, vector<1024x128xf32>,
      %broadcast_in_dim3A_269 = arith.constant -1.000000e+00 : f32
      %broadcast_in_dim3A_270 = vector.broadcast %broadcast_in_dim3A_269 : f32 to vector<1024x8xf32>
      %swap3A_271 = arith.constant 0 : index
      %swap3A_272 = arith.constant 0 : index
      %swap3A_273 = vector.load %arg6[%swap3A_271, %swap3A_272] : memref<1024x8xf32, #tpu.memory_space<vmem>>, vector<1024x8xf32>
      tpu.vector_store %arg6[%swap3A_271, %swap3A_272], %broadcast_in_dim3A_270 {strides = array<i32>} : memref<1024x8xf32, #tpu.memory_space<vmem>>, vector<1024x8xf32>,
      %broadcast_in_dim3A_274 = arith.constant 0.000000e+00 : f32
      %broadcast_in_dim3A_275 = vector.broadcast %broadcast_in_dim3A_274 : f32 to vector<1024x8xf32>
      %swap3A_276 = arith.constant 0 : index
      %swap3A_277 = arith.constant 0 : index
      %swap3A_278 = vector.load %arg7[%swap3A_276, %swap3A_277] : memref<1024x8xf32, #tpu.memory_space<vmem>>, vector<1024x8xf32>
      tpu.vector_store %arg7[%swap3A_276, %swap3A_277], %broadcast_in_dim3A_275 {strides = array<i32>} : memref<1024x8xf32, #tpu.memory_space<vmem>>, vector<1024x8xf32>,
      %broadcast_in_dim3A_279 = arith.constant 0.000000e+00 : f32
      %broadcast_in_dim3A_280 = vector.broadcast %broadcast_in_dim3A_279 : f32 to vector<1024x1000xf32>
      %swap3A_281 = arith.constant 0 : index
      %swap3A_282 = arith.constant 0 : index
      %swap3A_283 = vector.load %arg8[%swap3A_281, %swap3A_282] : memref<1024x1000xf32, #tpu.memory_space<vmem>>, vector<1024x1000xf32>
      tpu.vector_store %arg8[%swap3A_281, %swap3A_282], %broadcast_in_dim3A_280 {strides = array<i32>} : memref<1024x1000xf32, #tpu.memory_space<vmem>>, vector<1024x1000xf32>,
    } else {
    }
    %get3A = arith.constant 0 : index
    %get3A_2 = arith.constant 0 : index
    %get3A_3 = vector.load %arg2[%get3A, %get3A_2] : memref<1000x128xf32, #tpu.memory_space<vmem>>, vector<1000x128xf32>
    %mul3A = arith.mulf %get3A_3, %get3A_3 : vector<1000x128xf32>
    %reduce_sum3A = arith.constant dense<0.000000e+00> : vector<1000xf32>
    %reduce_sum3A_4 = vector.multi_reduction <add>, %mul3A, %reduce_sum3A [1] : vector<1000x128xf32> to vector<1000xf32>
    %broadcast_in_dim3A = vector.shape_cast %reduce_sum3A_4 : vector<1000xf32> to vector<1000x1xf32>
    %max3A = arith.constant 1.000000e-24 : f32
    %max3A_5 = vector.broadcast %max3A : f32 to vector<1000x1xf32>
    %max3A_6 = arith.maximumf %broadcast_in_dim3A, %max3A_5 : vector<1000x1xf32>
    %rsqrt3A = math.rsqrt %max3A_6 : vector<1000x1xf32>
    %mul3A_7 = vector.broadcast %rsqrt3A : vector<1000x1xf32> to vector<1000x128xf32>
    %mul3A_8 = arith.mulf %get3A_3, %mul3A_7 : vector<1000x128xf32>
    %get3A_9 = arith.constant 0 : index
    %get3A_10 = arith.constant 0 : index
    %get3A_11 = vector.load %arg5[%get3A_9, %get3A_10] : memref<1024x128xf32, #tpu.memory_space<vmem>>, vector<1024x128xf32>
    %dot_general3A = arith.constant dense<0.000000e+00> : vector<1024x1000xf32>
    %dot_general3A_12 = tpu.matmul %get3A_11, %mul3A_8, %dot_general3A {dimension_numbers = #tpu.dot_dimension_numbers<[1], [1], [0], [0], [0, 0, 1, 0], [], []>, transpose_lhs_hint = false} : vector<1024x128xf32>, vector<1000x128xf32>, vector<1024x1000xf32> -> vector<1024x1000xf32>
    %mul3A_13 = arith.constant 14.2857141 : f32
    %mul3A_14 = vector.broadcast %mul3A_13 : f32 to vector<1024x1000xf32>
    %mul3A_15 = arith.mulf %dot_general3A_12, %mul3A_14 : vector<1024x1000xf32>
    %exp3A = math.exp %mul3A_15 : vector<1024x1000xf32>
    %get3A_16 = arith.constant 0 : index
    %get3A_17 = arith.constant 0 : index
    %get3A_18 = vector.load %arg8[%get3A_16, %get3A_17] : memref<1024x1000xf32, #tpu.memory_space<vmem>>, vector<1024x1000xf32>
    %add3A = arith.addf %get3A_18, %exp3A : vector<1024x1000xf32>
    %swap3A = arith.constant 0 : index
    %swap3A_19 = arith.constant 0 : index
    %swap3A_20 = vector.load %arg8[%swap3A, %swap3A_19] : memref<1024x1000xf32, #tpu.memory_space<vmem>>, vector<1024x1000xf32>
    tpu.vector_store %arg8[%swap3A, %swap3A_19], %add3A {strides = array<i32>} : memref<1024x1000xf32, #tpu.memory_space<vmem>>, vector<1024x1000xf32>,
    %mul3A_21 = arith.constant 1000 : i32
    %mul3A_22 = arith.muli %arg0, %mul3A_21 : i32
    %convert_element_type3A_23 = arith.sitofp %mul3A_22 : i32 to f32
    %iota3A = tpu.iota {dimensions = array<i32: 1>} : vector<1024x1000xi32>
    %convert_element_type3A_24 = arith.sitofp %iota3A : vector<1024x1000xi32> to vector<1024x1000xf32>
    %add3A_25 = vector.broadcast %convert_element_type3A_23 : f32 to vector<1024x1000xf32>
    %add3A_26 = arith.addf %add3A_25, %convert_element_type3A_24 : vector<1024x1000xf32>
    %reduce_max3A = arith.constant dense<0xFF800000> : vector<1024xf32>
    %reduce_max3A_27 = vector.multi_reduction <maximumf>, %exp3A, %reduce_max3A [1] : vector<1024x1000xf32> to vector<1024xf32>
    %broadcast_in_dim3A_28 = vector.shape_cast %reduce_max3A_27 : vector<1024xf32> to vector<1024x1xf32>
    %eq3A_29 = vector.broadcast %broadcast_in_dim3A_28 : vector<1024x1xf32> to vector<1024x1000xf32>
    %eq3A_30 = arith.cmpf oeq, %exp3A, %eq3A_29 : vector<1024x1000xf32>
    %jit3A = arith.constant 3.000000e+07 : f32
    %broadcast_in_dim3A_31 = vector.broadcast %jit3A : f32 to vector<1024x1000xf32>
    %select_n3A = arith.select %eq3A_30, %add3A_26, %broadcast_in_dim3A_31 : vector<1024x1000xi1>, vector<1024x1000xf32>
    %reduce_min3A = arith.constant dense<0x7F800000> : vector<1024xf32>
    %reduce_min3A_32 = vector.multi_reduction <minimumf>, %select_n3A, %reduce_min3A [1] : vector<1024x1000xf32> to vector<1024xf32>
    %broadcast_in_dim3A_33 = vector.shape_cast %reduce_min3A_32 : vector<1024xf32> to vector<1024x1xf32>
    %swap3A_34 = arith.constant 0 : index
    %swap3A_35 = arith.constant 0 : index
    %swap3A_36 = vector.load %arg11[%swap3A_34, %swap3A_35] : memref<1024x8xf32, #tpu.memory_space<vmem>>, vector<1024x1xf32>
    tpu.vector_store %arg11[%swap3A_34, %swap3A_35], %broadcast_in_dim3A_28 {strides = array<i32>} : memref<1024x8xf32, #tpu.memory_space<vmem>>, vector<1024x1xf32>,
    %swap3A_37 = arith.constant 0 : index
    %swap3A_38 = arith.constant 0 : index
    %swap3A_39 = vector.load %arg12[%swap3A_37, %swap3A_38] : memref<1024x8xf32, #tpu.memory_space<vmem>>, vector<1024x1xf32>
    tpu.vector_store %arg12[%swap3A_37, %swap3A_38], %broadcast_in_dim3A_33 {strides = array<i32>} : memref<1024x8xf32, #tpu.memory_space<vmem>>, vector<1024x1xf32>,
    %eq3A_40 = vector.broadcast %broadcast_in_dim3A_33 : vector<1024x1xf32> to vector<1024x1000xf32>
    %eq3A_41 = arith.cmpf oeq, %add3A_26, %eq3A_40 : vector<1024x1000xf32>
    %jit3A_42 = arith.constant -2.000000e+00 : f32
    %broadcast_in_dim3A_43 = vector.broadcast %jit3A_42 : f32 to vector<1024x1000xf32>
    %select_n3A_44 = arith.select %eq3A_41, %broadcast_in_dim3A_43, %exp3A : vector<1024x1000xi1>, vector<1024x1000xf32>
    %reduce_max3A_45 = arith.constant dense<0xFF800000> : vector<1024xf32>
    %reduce_max3A_46 = vector.multi_reduction <maximumf>, %select_n3A_44, %reduce_max3A_45 [1] : vector<1024x1000xf32> to vector<1024xf32>
    %broadcast_in_dim3A_47 = vector.shape_cast %reduce_max3A_46 : vector<1024xf32> to vector<1024x1xf32>
    %eq3A_48 = vector.broadcast %broadcast_in_dim3A_47 : vector<1024x1xf32> to vector<1024x1000xf32>
    %eq3A_49 = arith.cmpf oeq, %select_n3A_44, %eq3A_48 : vector<1024x1000xf32>
    %jit3A_50 = arith.constant 3.000000e+07 : f32
    %broadcast_in_dim3A_51 = vector.broadcast %jit3A_50 : f32 to vector<1024x1000xf32>
    %select_n3A_52 = arith.select %eq3A_49, %add3A_26, %broadcast_in_dim3A_51 : vector<1024x1000xi1>, vector<1024x1000xf32>
    %reduce_min3A_53 = arith.constant dense<0x7F800000> : vector<1024xf32>
    %reduce_min3A_54 = vector.multi_reduction <minimumf>, %select_n3A_52, %reduce_min3A_53 [1] : vector<1024x1000xf32> to vector<1024xf32>
    %broadcast_in_dim3A_55 = vector.shape_cast %reduce_min3A_54 : vector<1024xf32> to vector<1024x1xf32>
    %swap3A_56 = arith.constant 0 : index
    %swap3A_57 = arith.constant 1 : index
    %swap3A_58 = vector.load %arg11[%swap3A_56, %swap3A_57] : memref<1024x8xf32, #tpu.memory_space<vmem>>, vector<1024x1xf32>
    tpu.vector_store %arg11[%swap3A_56, %swap3A_57], %broadcast_in_dim3A_47 {strides = array<i32>} : memref<1024x8xf32, #tpu.memory_space<vmem>>, vector<1024x1xf32>,
    %swap3A_59 = arith.constant 0 : index
    %swap3A_60 = arith.constant 1 : index
    %swap3A_61 = vector.load %arg12[%swap3A_59, %swap3A_60] : memref<1024x8xf32, #tpu.memory_space<vmem>>, vector<1024x1xf32>
    tpu.vector_store %arg12[%swap3A_59, %swap3A_60], %broadcast_in_dim3A_55 {strides = array<i32>} : memref<1024x8xf32, #tpu.memory_space<vmem>>, vector<1024x1xf32>,
    %eq3A_62 = vector.broadcast %broadcast_in_dim3A_55 : vector<1024x1xf32> to vector<1024x1000xf32>
    %eq3A_63 = arith.cmpf oeq, %add3A_26, %eq3A_62 : vector<1024x1000xf32>
    %jit3A_64 = arith.constant -2.000000e+00 : f32
    %broadcast_in_dim3A_65 = vector.broadcast %jit3A_64 : f32 to vector<1024x1000xf32>
    %select_n3A_66 = arith.select %eq3A_63, %broadcast_in_dim3A_65, %select_n3A_44 : vector<1024x1000xi1>, vector<1024x1000xf32>
    %reduce_max3A_67 = arith.constant dense<0xFF800000> : vector<1024xf32>
    %reduce_max3A_68 = vector.multi_reduction <maximumf>, %select_n3A_66, %reduce_max3A_67 [1] : vector<1024x1000xf32> to vector<1024xf32>
    %broadcast_in_dim3A_69 = vector.shape_cast %reduce_max3A_68 : vector<1024xf32> to vector<1024x1xf32>
    %eq3A_70 = vector.broadcast %broadcast_in_dim3A_69 : vector<1024x1xf32> to vector<1024x1000xf32>
    %eq3A_71 = arith.cmpf oeq, %select_n3A_66, %eq3A_70 : vector<1024x1000xf32>
    %jit3A_72 = arith.constant 3.000000e+07 : f32
    %broadcast_in_dim3A_73 = vector.broadcast %jit3A_72 : f32 to vector<1024x1000xf32>
    %select_n3A_74 = arith.select %eq3A_71, %add3A_26, %broadcast_in_dim3A_73 : vector<1024x1000xi1>, vector<1024x1000xf32>
    %reduce_min3A_75 = arith.constant dense<0x7F800000> : vector<1024xf32>
    %reduce_min3A_76 = vector.multi_reduction <minimumf>, %select_n3A_74, %reduce_min3A_75 [1] : vector<1024x1000xf32> to vector<1024xf32>
    %broadcast_in_dim3A_77 = vector.shape_cast %reduce_min3A_76 : vector<1024xf32> to vector<1024x1xf32>
    %swap3A_78 = arith.constant 0 : index
    %swap3A_79 = arith.constant 2 : index
    %swap3A_80 = vector.load %arg11[%swap3A_78, %swap3A_79] : memref<1024x8xf32, #tpu.memory_space<vmem>>, vector<1024x1xf32>
    tpu.vector_store %arg11[%swap3A_78, %swap3A_79], %broadcast_in_dim3A_69 {strides = array<i32>} : memref<1024x8xf32, #tpu.memory_space<vmem>>, vector<1024x1xf32>,
    %swap3A_81 = arith.constant 0 : index
    %swap3A_82 = arith.constant 2 : index
    %swap3A_83 = vector.load %arg12[%swap3A_81, %swap3A_82] : memref<1024x8xf32, #tpu.memory_space<vmem>>, vector<1024x1xf32>
    tpu.vector_store %arg12[%swap3A_81, %swap3A_82], %broadcast_in_dim3A_77 {strides = array<i32>} : memref<1024x8xf32, #tpu.memory_space<vmem>>, vector<1024x1xf32>,
    %eq3A_84 = vector.broadcast %broadcast_in_dim3A_77 : vector<1024x1xf32> to vector<1024x1000xf32>
    %eq3A_85 = arith.cmpf oeq, %add3A_26, %eq3A_84 : vector<1024x1000xf32>
    %jit3A_86 = arith.constant -2.000000e+00 : f32
    %broadcast_in_dim3A_87 = vector.broadcast %jit3A_86 : f32 to vector<1024x1000xf32>
    %select_n3A_88 = arith.select %eq3A_85, %broadcast_in_dim3A_87, %select_n3A_66 : vector<1024x1000xi1>, vector<1024x1000xf32>
    %reduce_max3A_89 = arith.constant dense<0xFF800000> : vector<1024xf32>
    %reduce_max3A_90 = vector.multi_reduction <maximumf>, %select_n3A_88, %reduce_max3A_89 [1] : vector<1024x1000xf32> to vector<1024xf32>
    %broadcast_in_dim3A_91 = vector.shape_cast %reduce_max3A_90 : vector<1024xf32> to vector<1024x1xf32>
    %eq3A_92 = vector.broadcast %broadcast_in_dim3A_91 : vector<1024x1xf32> to vector<1024x1000xf32>
    %eq3A_93 = arith.cmpf oeq, %select_n3A_88, %eq3A_92 : vector<1024x1000xf32>
    %jit3A_94 = arith.constant 3.000000e+07 : f32
    %broadcast_in_dim3A_95 = vector.broadcast %jit3A_94 : f32 to vector<1024x1000xf32>
    %select_n3A_96 = arith.select %eq3A_93, %add3A_26, %broadcast_in_dim3A_95 : vector<1024x1000xi1>, vector<1024x1000xf32>
    %reduce_min3A_97 = arith.constant dense<0x7F800000> : vector<1024xf32>
    %reduce_min3A_98 = vector.multi_reduction <minimumf>, %select_n3A_96, %reduce_min3A_97 [1] : vector<1024x1000xf32> to vector<1024xf32>
    %broadcast_in_dim3A_99 = vector.shape_cast %reduce_min3A_98 : vector<1024xf32> to vector<1024x1xf32>
    %swap3A_100 = arith.constant 0 : index
    %swap3A_101 = arith.constant 3 : index
    %swap3A_102 = vector.load %arg11[%swap3A_100, %swap3A_101] : memref<1024x8xf32, #tpu.memory_space<vmem>>, vector<1024x1xf32>
    tpu.vector_store %arg11[%swap3A_100, %swap3A_101], %broadcast_in_dim3A_91 {strides = array<i32>} : memref<1024x8xf32, #tpu.memory_space<vmem>>, vector<1024x1xf32>,
    %swap3A_103 = arith.constant 0 : index
    %swap3A_104 = arith.constant 3 : index
    %swap3A_105 = vector.load %arg12[%swap3A_103, %swap3A_104] : memref<1024x8xf32, #tpu.memory_space<vmem>>, vector<1024x1xf32>
    tpu.vector_store %arg12[%swap3A_103, %swap3A_104], %broadcast_in_dim3A_99 {strides = array<i32>} : memref<1024x8xf32, #tpu.memory_space<vmem>>, vector<1024x1xf32>,
    %eq3A_106 = vector.broadcast %broadcast_in_dim3A_99 : vector<1024x1xf32> to vector<1024x1000xf32>
    %eq3A_107 = arith.cmpf oeq, %add3A_26, %eq3A_106 : vector<1024x1000xf32>
    %jit3A_108 = arith.constant -2.000000e+00 : f32
    %broadcast_in_dim3A_109 = vector.broadcast %jit3A_108 : f32 to vector<1024x1000xf32>
    %select_n3A_110 = arith.select %eq3A_107, %broadcast_in_dim3A_109, %select_n3A_88 : vector<1024x1000xi1>, vector<1024x1000xf32>
    %reduce_max3A_111 = arith.constant dense<0xFF800000> : vector<1024xf32>
    %reduce_max3A_112 = vector.multi_reduction <maximumf>, %select_n3A_110, %reduce_max3A_111 [1] : vector<1024x1000xf32> to vector<1024xf32>
    %broadcast_in_dim3A_113 = vector.shape_cast %reduce_max3A_112 : vector<1024xf32> to vector<1024x1xf32>
    %eq3A_114 = vector.broadcast %broadcast_in_dim3A_113 : vector<1024x1xf32> to vector<1024x1000xf32>
    %eq3A_115 = arith.cmpf oeq, %select_n3A_110, %eq3A_114 : vector<1024x1000xf32>
    %jit3A_116 = arith.constant 3.000000e+07 : f32
    %broadcast_in_dim3A_117 = vector.broadcast %jit3A_116 : f32 to vector<1024x1000xf32>
    %select_n3A_118 = arith.select %eq3A_115, %add3A_26, %broadcast_in_dim3A_117 : vector<1024x1000xi1>, vector<1024x1000xf32>
    %reduce_min3A_119 = arith.constant dense<0x7F800000> : vector<1024xf32>
    %reduce_min3A_120 = vector.multi_reduction <minimumf>, %select_n3A_118, %reduce_min3A_119 [1] : vector<1024x1000xf32> to vector<1024xf32>
    %broadcast_in_dim3A_121 = vector.shape_cast %reduce_min3A_120 : vector<1024xf32> to vector<1024x1xf32>
    %swap3A_122 = arith.constant 0 : index
    %swap3A_123 = arith.constant 4 : index
    %swap3A_124 = vector.load %arg11[%swap3A_122, %swap3A_123] : memref<1024x8xf32, #tpu.memory_space<vmem>>, vector<1024x1xf32>
    tpu.vector_store %arg11[%swap3A_122, %swap3A_123], %broadcast_in_dim3A_113 {strides = array<i32>} : memref<1024x8xf32, #tpu.memory_space<vmem>>, vector<1024x1xf32>,
    %swap3A_125 = arith.constant 0 : index
    %swap3A_126 = arith.constant 4 : index
    %swap3A_127 = vector.load %arg12[%swap3A_125, %swap3A_126] : memref<1024x8xf32, #tpu.memory_space<vmem>>, vector<1024x1xf32>
    tpu.vector_store %arg12[%swap3A_125, %swap3A_126], %broadcast_in_dim3A_121 {strides = array<i32>} : memref<1024x8xf32, #tpu.memory_space<vmem>>, vector<1024x1xf32>,
    %eq3A_128 = vector.broadcast %broadcast_in_dim3A_121 : vector<1024x1xf32> to vector<1024x1000xf32>
    %eq3A_129 = arith.cmpf oeq, %add3A_26, %eq3A_128 : vector<1024x1000xf32>
    %jit3A_130 = arith.constant -2.000000e+00 : f32
    %broadcast_in_dim3A_131 = vector.broadcast %jit3A_130 : f32 to vector<1024x1000xf32>
    %select_n3A_132 = arith.select %eq3A_129, %broadcast_in_dim3A_131, %select_n3A_110 : vector<1024x1000xi1>, vector<1024x1000xf32>
    %reduce_max3A_133 = arith.constant dense<0xFF800000> : vector<1024xf32>
    %reduce_max3A_134 = vector.multi_reduction <maximumf>, %select_n3A_132, %reduce_max3A_133 [1] : vector<1024x1000xf32> to vector<1024xf32>
    %broadcast_in_dim3A_135 = vector.shape_cast %reduce_max3A_134 : vector<1024xf32> to vector<1024x1xf32>
    %eq3A_136 = vector.broadcast %broadcast_in_dim3A_135 : vector<1024x1xf32> to vector<1024x1000xf32>
    %eq3A_137 = arith.cmpf oeq, %select_n3A_132, %eq3A_136 : vector<1024x1000xf32>
    %jit3A_138 = arith.constant 3.000000e+07 : f32
    %broadcast_in_dim3A_139 = vector.broadcast %jit3A_138 : f32 to vector<1024x1000xf32>
    %select_n3A_140 = arith.select %eq3A_137, %add3A_26, %broadcast_in_dim3A_139 : vector<1024x1000xi1>, vector<1024x1000xf32>
    %reduce_min3A_141 = arith.constant dense<0x7F800000> : vector<1024xf32>
    %reduce_min3A_142 = vector.multi_reduction <minimumf>, %select_n3A_140, %reduce_min3A_141 [1] : vector<1024x1000xf32> to vector<1024xf32>
    %broadcast_in_dim3A_143 = vector.shape_cast %reduce_min3A_142 : vector<1024xf32> to vector<1024x1xf32>
    %swap3A_144 = arith.constant 0 : index
    %swap3A_145 = arith.constant 5 : index
    %swap3A_146 = vector.load %arg11[%swap3A_144, %swap3A_145] : memref<1024x8xf32, #tpu.memory_space<vmem>>, vector<1024x1xf32>
    tpu.vector_store %arg11[%swap3A_144, %swap3A_145], %broadcast_in_dim3A_135 {strides = array<i32>} : memref<1024x8xf32, #tpu.memory_space<vmem>>, vector<1024x1xf32>,
    %swap3A_147 = arith.constant 0 : index
    %swap3A_148 = arith.constant 5 : index
    %swap3A_149 = vector.load %arg12[%swap3A_147, %swap3A_148] : memref<1024x8xf32, #tpu.memory_space<vmem>>, vector<1024x1xf32>
    tpu.vector_store %arg12[%swap3A_147, %swap3A_148], %broadcast_in_dim3A_143 {strides = array<i32>} : memref<1024x8xf32, #tpu.memory_space<vmem>>, vector<1024x1xf32>,
    %eq3A_150 = vector.broadcast %broadcast_in_dim3A_143 : vector<1024x1xf32> to vector<1024x1000xf32>
    %eq3A_151 = arith.cmpf oeq, %add3A_26, %eq3A_150 : vector<1024x1000xf32>
    %jit3A_152 = arith.constant -2.000000e+00 : f32
    %broadcast_in_dim3A_153 = vector.broadcast %jit3A_152 : f32 to vector<1024x1000xf32>
    %select_n3A_154 = arith.select %eq3A_151, %broadcast_in_dim3A_153, %select_n3A_132 : vector<1024x1000xi1>, vector<1024x1000xf32>
    %reduce_max3A_155 = arith.constant dense<0xFF800000> : vector<1024xf32>
    %reduce_max3A_156 = vector.multi_reduction <maximumf>, %select_n3A_154, %reduce_max3A_155 [1] : vector<1024x1000xf32> to vector<1024xf32>
    %broadcast_in_dim3A_157 = vector.shape_cast %reduce_max3A_156 : vector<1024xf32> to vector<1024x1xf32>
    %eq3A_158 = vector.broadcast %broadcast_in_dim3A_157 : vector<1024x1xf32> to vector<1024x1000xf32>
    %eq3A_159 = arith.cmpf oeq, %select_n3A_154, %eq3A_158 : vector<1024x1000xf32>
    %jit3A_160 = arith.constant 3.000000e+07 : f32
    %broadcast_in_dim3A_161 = vector.broadcast %jit3A_160 : f32 to vector<1024x1000xf32>
    %select_n3A_162 = arith.select %eq3A_159, %add3A_26, %broadcast_in_dim3A_161 : vector<1024x1000xi1>, vector<1024x1000xf32>
    %reduce_min3A_163 = arith.constant dense<0x7F800000> : vector<1024xf32>
    %reduce_min3A_164 = vector.multi_reduction <minimumf>, %select_n3A_162, %reduce_min3A_163 [1] : vector<1024x1000xf32> to vector<1024xf32>
    %broadcast_in_dim3A_165 = vector.shape_cast %reduce_min3A_164 : vector<1024xf32> to vector<1024x1xf32>
    %swap3A_166 = arith.constant 0 : index
    %swap3A_167 = arith.constant 6 : index
    %swap3A_168 = vector.load %arg11[%swap3A_166, %swap3A_167] : memref<1024x8xf32, #tpu.memory_space<vmem>>, vector<1024x1xf32>
    tpu.vector_store %arg11[%swap3A_166, %swap3A_167], %broadcast_in_dim3A_157 {strides = array<i32>} : memref<1024x8xf32, #tpu.memory_space<vmem>>, vector<1024x1xf32>,
    %swap3A_169 = arith.constant 0 : index
    %swap3A_170 = arith.constant 6 : index
    %swap3A_171 = vector.load %arg12[%swap3A_169, %swap3A_170] : memref<1024x8xf32, #tpu.memory_space<vmem>>, vector<1024x1xf32>
    tpu.vector_store %arg12[%swap3A_169, %swap3A_170], %broadcast_in_dim3A_165 {strides = array<i32>} : memref<1024x8xf32, #tpu.memory_space<vmem>>, vector<1024x1xf32>,
    %eq3A_172 = vector.broadcast %broadcast_in_dim3A_165 : vector<1024x1xf32> to vector<1024x1000xf32>
    %eq3A_173 = arith.cmpf oeq, %add3A_26, %eq3A_172 : vector<1024x1000xf32>
    %jit3A_174 = arith.constant -2.000000e+00 : f32
    %broadcast_in_dim3A_175 = vector.broadcast %jit3A_174 : f32 to vector<1024x1000xf32>
    %select_n3A_176 = arith.select %eq3A_173, %broadcast_in_dim3A_175, %select_n3A_154 : vector<1024x1000xi1>, vector<1024x1000xf32>
    %reduce_max3A_177 = arith.constant dense<0xFF800000> : vector<1024xf32>
    %reduce_max3A_178 = vector.multi_reduction <maximumf>, %select_n3A_176, %reduce_max3A_177 [1] : vector<1024x1000xf32> to vector<1024xf32>
    %broadcast_in_dim3A_179 = vector.shape_cast %reduce_max3A_178 : vector<1024xf32> to vector<1024x1xf32>
    %eq3A_180 = vector.broadcast %broadcast_in_dim3A_179 : vector<1024x1xf32> to vector<1024x1000xf32>
    %eq3A_181 = arith.cmpf oeq, %select_n3A_176, %eq3A_180 : vector<1024x1000xf32>
    %jit3A_182 = arith.constant 3.000000e+07 : f32
    %broadcast_in_dim3A_183 = vector.broadcast %jit3A_182 : f32 to vector<1024x1000xf32>
    %select_n3A_184 = arith.select %eq3A_181, %add3A_26, %broadcast_in_dim3A_183 : vector<1024x1000xi1>, vector<1024x1000xf32>
    %reduce_min3A_185 = arith.constant dense<0x7F800000> : vector<1024xf32>
    %reduce_min3A_186 = vector.multi_reduction <minimumf>, %select_n3A_184, %reduce_min3A_185 [1] : vector<1024x1000xf32> to vector<1024xf32>
    %broadcast_in_dim3A_187 = vector.shape_cast %reduce_min3A_186 : vector<1024xf32> to vector<1024x1xf32>
    %swap3A_188 = arith.constant 0 : index
    %swap3A_189 = arith.constant 7 : index
    %swap3A_190 = vector.load %arg11[%swap3A_188, %swap3A_189] : memref<1024x8xf32, #tpu.memory_space<vmem>>, vector<1024x1xf32>
    tpu.vector_store %arg11[%swap3A_188, %swap3A_189], %broadcast_in_dim3A_179 {strides = array<i32>} : memref<1024x8xf32, #tpu.memory_space<vmem>>, vector<1024x1xf32>,
    %swap3A_191 = arith.constant 0 : index
    %swap3A_192 = arith.constant 7 : index
    %swap3A_193 = vector.load %arg12[%swap3A_191, %swap3A_192] : memref<1024x8xf32, #tpu.memory_space<vmem>>, vector<1024x1xf32>
    tpu.vector_store %arg12[%swap3A_191, %swap3A_192], %broadcast_in_dim3A_187 {strides = array<i32>} : memref<1024x8xf32, #tpu.memory_space<vmem>>, vector<1024x1xf32>,
    %rem3A = arith.constant 10 : i32
    %rem3A_194 = arith.remsi %arg0, %rem3A : i32
    %eq3A_195 = arith.constant 0 : i32
    %eq3A_196 = arith.cmpi eq, %rem3A_194, %eq3A_195 : i32
    %convert_element_type3A_197 = arith.extui %eq3A_196 : i1 to i32
    %cond3A_198 = arith.constant 0 : i32
    %cond3A_199 = arith.cmpi ne, %convert_element_type3A_197, %cond3A_198 : i32
    scf.if %cond3A_199 {
      %get3A_255 = arith.constant 0 : index
      %get3A_256 = arith.constant 0 : index
      %get3A_257 = vector.load %arg11[%get3A_255, %get3A_256] : memref<1024x8xf32, #tpu.memory_space<vmem>>, vector<1024x8xf32>
      %swap3A_258 = arith.constant 0 : index
      %swap3A_259 = arith.constant 0 : index
      %swap3A_260 = vector.load %arg9[%swap3A_258, %swap3A_259] : memref<1024x80xf32, #tpu.memory_space<vmem>>, vector<1024x8xf32>
      tpu.vector_store %arg9[%swap3A_258, %swap3A_259], %get3A_257 {strides = array<i32>} : memref<1024x80xf32, #tpu.memory_space<vmem>>, vector<1024x8xf32>,
      %get3A_261 = arith.constant 0 : index
      %get3A_262 = arith.constant 0 : index
      %get3A_263 = vector.load %arg12[%get3A_261, %get3A_262] : memref<1024x8xf32, #tpu.memory_space<vmem>>, vector<1024x8xf32>
      %swap3A_264 = arith.constant 0 : index
      %swap3A_265 = arith.constant 0 : index
      %swap3A_266 = vector.load %arg10[%swap3A_264, %swap3A_265] : memref<1024x80xf32, #tpu.memory_space<vmem>>, vector<1024x8xf32>
      tpu.vector_store %arg10[%swap3A_264, %swap3A_265], %get3A_263 {strides = array<i32>} : memref<1024x80xf32, #tpu.memory_space<vmem>>, vector<1024x8xf32>,
    } else {
    }
    %eq3A_200 = arith.constant 1 : i32
    %eq3A_201 = arith.cmpi eq, %rem3A_194, %eq3A_200 : i32
    %convert_element_type3A_202 = arith.extui %eq3A_201 : i1 to i32
    %cond3A_203 = arith.constant 0 : i32
    %cond3A_204 = arith.cmpi ne, %convert_element_type3A_202, %cond3A_203 : i32
    scf.if %cond3A_204 {
      %get3A_255 = arith.constant 0 : index
      %get3A_256 = arith.constant 0 : index
      %get3A_257 = vector.load %arg11[%get3A_255, %get3A_256] : memref<1024x8xf32, #tpu.memory_space<vmem>>, vector<1024x8xf32>
      %swap3A_258 = arith.constant 0 : index
      %swap3A_259 = arith.constant 8 : index
      %swap3A_260 = vector.load %arg9[%swap3A_258, %swap3A_259] : memref<1024x80xf32, #tpu.memory_space<vmem>>, vector<1024x8xf32>
      tpu.vector_store %arg9[%swap3A_258, %swap3A_259], %get3A_257 {strides = array<i32>} : memref<1024x80xf32, #tpu.memory_space<vmem>>, vector<1024x8xf32>,
      %get3A_261 = arith.constant 0 : index
      %get3A_262 = arith.constant 0 : index
      %get3A_263 = vector.load %arg12[%get3A_261, %get3A_262] : memref<1024x8xf32, #tpu.memory_space<vmem>>, vector<1024x8xf32>
      %swap3A_264 = arith.constant 0 : index
      %swap3A_265 = arith.constant 8 : index
      %swap3A_266 = vector.load %arg10[%swap3A_264, %swap3A_265] : memref<1024x80xf32, #tpu.memory_space<vmem>>, vector<1024x8xf32>
      tpu.vector_store %arg10[%swap3A_264, %swap3A_265], %get3A_263 {strides = array<i32>} : memref<1024x80xf32, #tpu.memory_space<vmem>>, vector<1024x8xf32>,
    } else {
    }
    %eq3A_205 = arith.constant 2 : i32
    %eq3A_206 = arith.cmpi eq, %rem3A_194, %eq3A_205 : i32
    %convert_element_type3A_207 = arith.extui %eq3A_206 : i1 to i32
    %cond3A_208 = arith.constant 0 : i32
    %cond3A_209 = arith.cmpi ne, %convert_element_type3A_207, %cond3A_208 : i32
    scf.if %cond3A_209 {
      %get3A_255 = arith.constant 0 : index
      %get3A_256 = arith.constant 0 : index
      %get3A_257 = vector.load %arg11[%get3A_255, %get3A_256] : memref<1024x8xf32, #tpu.memory_space<vmem>>, vector<1024x8xf32>
      %swap3A_258 = arith.constant 0 : index
      %swap3A_259 = arith.constant 16 : index
      %swap3A_260 = vector.load %arg9[%swap3A_258, %swap3A_259] : memref<1024x80xf32, #tpu.memory_space<vmem>>, vector<1024x8xf32>
      tpu.vector_store %arg9[%swap3A_258, %swap3A_259], %get3A_257 {strides = array<i32>} : memref<1024x80xf32, #tpu.memory_space<vmem>>, vector<1024x8xf32>,
      %get3A_261 = arith.constant 0 : index
      %get3A_262 = arith.constant 0 : index
      %get3A_263 = vector.load %arg12[%get3A_261, %get3A_262] : memref<1024x8xf32, #tpu.memory_space<vmem>>, vector<1024x8xf32>
      %swap3A_264 = arith.constant 0 : index
      %swap3A_265 = arith.constant 16 : index
      %swap3A_266 = vector.load %arg10[%swap3A_264, %swap3A_265] : memref<1024x80xf32, #tpu.memory_space<vmem>>, vector<1024x8xf32>
      tpu.vector_store %arg10[%swap3A_264, %swap3A_265], %get3A_263 {strides = array<i32>} : memref<1024x80xf32, #tpu.memory_space<vmem>>, vector<1024x8xf32>,
    } else {
    }
    %eq3A_210 = arith.constant 3 : i32
    %eq3A_211 = arith.cmpi eq, %rem3A_194, %eq3A_210 : i32
    %convert_element_type3A_212 = arith.extui %eq3A_211 : i1 to i32
    %cond3A_213 = arith.constant 0 : i32
    %cond3A_214 = arith.cmpi ne, %convert_element_type3A_212, %cond3A_213 : i32
    scf.if %cond3A_214 {
      %get3A_255 = arith.constant 0 : index
      %get3A_256 = arith.constant 0 : index
      %get3A_257 = vector.load %arg11[%get3A_255, %get3A_256] : memref<1024x8xf32, #tpu.memory_space<vmem>>, vector<1024x8xf32>
      %swap3A_258 = arith.constant 0 : index
      %swap3A_259 = arith.constant 24 : index
      %swap3A_260 = vector.load %arg9[%swap3A_258, %swap3A_259] : memref<1024x80xf32, #tpu.memory_space<vmem>>, vector<1024x8xf32>
      tpu.vector_store %arg9[%swap3A_258, %swap3A_259], %get3A_257 {strides = array<i32>} : memref<1024x80xf32, #tpu.memory_space<vmem>>, vector<1024x8xf32>,
      %get3A_261 = arith.constant 0 : index
      %get3A_262 = arith.constant 0 : index
      %get3A_263 = vector.load %arg12[%get3A_261, %get3A_262] : memref<1024x8xf32, #tpu.memory_space<vmem>>, vector<1024x8xf32>
      %swap3A_264 = arith.constant 0 : index
      %swap3A_265 = arith.constant 24 : index
      %swap3A_266 = vector.load %arg10[%swap3A_264, %swap3A_265] : memref<1024x80xf32, #tpu.memory_space<vmem>>, vector<1024x8xf32>
      tpu.vector_store %arg10[%swap3A_264, %swap3A_265], %get3A_263 {strides = array<i32>} : memref<1024x80xf32, #tpu.memory_space<vmem>>, vector<1024x8xf32>,
    } else {
    }
    %eq3A_215 = arith.constant 4 : i32
    %eq3A_216 = arith.cmpi eq, %rem3A_194, %eq3A_215 : i32
    %convert_element_type3A_217 = arith.extui %eq3A_216 : i1 to i32
    %cond3A_218 = arith.constant 0 : i32
    %cond3A_219 = arith.cmpi ne, %convert_element_type3A_217, %cond3A_218 : i32
    scf.if %cond3A_219 {
      %get3A_255 = arith.constant 0 : index
      %get3A_256 = arith.constant 0 : index
      %get3A_257 = vector.load %arg11[%get3A_255, %get3A_256] : memref<1024x8xf32, #tpu.memory_space<vmem>>, vector<1024x8xf32>
      %swap3A_258 = arith.constant 0 : index
      %swap3A_259 = arith.constant 32 : index
      %swap3A_260 = vector.load %arg9[%swap3A_258, %swap3A_259] : memref<1024x80xf32, #tpu.memory_space<vmem>>, vector<1024x8xf32>
      tpu.vector_store %arg9[%swap3A_258, %swap3A_259], %get3A_257 {strides = array<i32>} : memref<1024x80xf32, #tpu.memory_space<vmem>>, vector<1024x8xf32>,
      %get3A_261 = arith.constant 0 : index
      %get3A_262 = arith.constant 0 : index
      %get3A_263 = vector.load %arg12[%get3A_261, %get3A_262] : memref<1024x8xf32, #tpu.memory_space<vmem>>, vector<1024x8xf32>
      %swap3A_264 = arith.constant 0 : index
      %swap3A_265 = arith.constant 32 : index
      %swap3A_266 = vector.load %arg10[%swap3A_264, %swap3A_265] : memref<1024x80xf32, #tpu.memory_space<vmem>>, vector<1024x8xf32>
      tpu.vector_store %arg10[%swap3A_264, %swap3A_265], %get3A_263 {strides = array<i32>} : memref<1024x80xf32, #tpu.memory_space<vmem>>, vector<1024x8xf32>,
    } else {
    }
    %eq3A_220 = arith.constant 5 : i32
    %eq3A_221 = arith.cmpi eq, %rem3A_194, %eq3A_220 : i32
    %convert_element_type3A_222 = arith.extui %eq3A_221 : i1 to i32
    %cond3A_223 = arith.constant 0 : i32
    %cond3A_224 = arith.cmpi ne, %convert_element_type3A_222, %cond3A_223 : i32
    scf.if %cond3A_224 {
      %get3A_255 = arith.constant 0 : index
      %get3A_256 = arith.constant 0 : index
      %get3A_257 = vector.load %arg11[%get3A_255, %get3A_256] : memref<1024x8xf32, #tpu.memory_space<vmem>>, vector<1024x8xf32>
      %swap3A_258 = arith.constant 0 : index
      %swap3A_259 = arith.constant 40 : index
      %swap3A_260 = vector.load %arg9[%swap3A_258, %swap3A_259] : memref<1024x80xf32, #tpu.memory_space<vmem>>, vector<1024x8xf32>
      tpu.vector_store %arg9[%swap3A_258, %swap3A_259], %get3A_257 {strides = array<i32>} : memref<1024x80xf32, #tpu.memory_space<vmem>>, vector<1024x8xf32>,
      %get3A_261 = arith.constant 0 : index
      %get3A_262 = arith.constant 0 : index
      %get3A_263 = vector.load %arg12[%get3A_261, %get3A_262] : memref<1024x8xf32, #tpu.memory_space<vmem>>, vector<1024x8xf32>
      %swap3A_264 = arith.constant 0 : index
      %swap3A_265 = arith.constant 40 : index
      %swap3A_266 = vector.load %arg10[%swap3A_264, %swap3A_265] : memref<1024x80xf32, #tpu.memory_space<vmem>>, vector<1024x8xf32>
      tpu.vector_store %arg10[%swap3A_264, %swap3A_265], %get3A_263 {strides = array<i32>} : memref<1024x80xf32, #tpu.memory_space<vmem>>, vector<1024x8xf32>,
    } else {
    }
    %eq3A_225 = arith.constant 6 : i32
    %eq3A_226 = arith.cmpi eq, %rem3A_194, %eq3A_225 : i32
    %convert_element_type3A_227 = arith.extui %eq3A_226 : i1 to i32
    %cond3A_228 = arith.constant 0 : i32
    %cond3A_229 = arith.cmpi ne, %convert_element_type3A_227, %cond3A_228 : i32
    scf.if %cond3A_229 {
      %get3A_255 = arith.constant 0 : index
      %get3A_256 = arith.constant 0 : index
      %get3A_257 = vector.load %arg11[%get3A_255, %get3A_256] : memref<1024x8xf32, #tpu.memory_space<vmem>>, vector<1024x8xf32>
      %swap3A_258 = arith.constant 0 : index
      %swap3A_259 = arith.constant 48 : index
      %swap3A_260 = vector.load %arg9[%swap3A_258, %swap3A_259] : memref<1024x80xf32, #tpu.memory_space<vmem>>, vector<1024x8xf32>
      tpu.vector_store %arg9[%swap3A_258, %swap3A_259], %get3A_257 {strides = array<i32>} : memref<1024x80xf32, #tpu.memory_space<vmem>>, vector<1024x8xf32>,
      %get3A_261 = arith.constant 0 : index
      %get3A_262 = arith.constant 0 : index
      %get3A_263 = vector.load %arg12[%get3A_261, %get3A_262] : memref<1024x8xf32, #tpu.memory_space<vmem>>, vector<1024x8xf32>
      %swap3A_264 = arith.constant 0 : index
      %swap3A_265 = arith.constant 48 : index
      %swap3A_266 = vector.load %arg10[%swap3A_264, %swap3A_265] : memref<1024x80xf32, #tpu.memory_space<vmem>>, vector<1024x8xf32>
      tpu.vector_store %arg10[%swap3A_264, %swap3A_265], %get3A_263 {strides = array<i32>} : memref<1024x80xf32, #tpu.memory_space<vmem>>, vector<1024x8xf32>,
    } else {
    }
    %eq3A_230 = arith.constant 7 : i32
    %eq3A_231 = arith.cmpi eq, %rem3A_194, %eq3A_230 : i32
    %convert_element_type3A_232 = arith.extui %eq3A_231 : i1 to i32
    %cond3A_233 = arith.constant 0 : i32
    %cond3A_234 = arith.cmpi ne, %convert_element_type3A_232, %cond3A_233 : i32
    scf.if %cond3A_234 {
      %get3A_255 = arith.constant 0 : index
      %get3A_256 = arith.constant 0 : index
      %get3A_257 = vector.load %arg11[%get3A_255, %get3A_256] : memref<1024x8xf32, #tpu.memory_space<vmem>>, vector<1024x8xf32>
      %swap3A_258 = arith.constant 0 : index
      %swap3A_259 = arith.constant 56 : index
      %swap3A_260 = vector.load %arg9[%swap3A_258, %swap3A_259] : memref<1024x80xf32, #tpu.memory_space<vmem>>, vector<1024x8xf32>
      tpu.vector_store %arg9[%swap3A_258, %swap3A_259], %get3A_257 {strides = array<i32>} : memref<1024x80xf32, #tpu.memory_space<vmem>>, vector<1024x8xf32>,
      %get3A_261 = arith.constant 0 : index
      %get3A_262 = arith.constant 0 : index
      %get3A_263 = vector.load %arg12[%get3A_261, %get3A_262] : memref<1024x8xf32, #tpu.memory_space<vmem>>, vector<1024x8xf32>
      %swap3A_264 = arith.constant 0 : index
      %swap3A_265 = arith.constant 56 : index
      %swap3A_266 = vector.load %arg10[%swap3A_264, %swap3A_265] : memref<1024x80xf32, #tpu.memory_space<vmem>>, vector<1024x8xf32>
      tpu.vector_store %arg10[%swap3A_264, %swap3A_265], %get3A_263 {strides = array<i32>} : memref<1024x80xf32, #tpu.memory_space<vmem>>, vector<1024x8xf32>,
    } else {
    }
    %eq3A_235 = arith.constant 8 : i32
    %eq3A_236 = arith.cmpi eq, %rem3A_194, %eq3A_235 : i32
    %convert_element_type3A_237 = arith.extui %eq3A_236 : i1 to i32
    %cond3A_238 = arith.constant 0 : i32
    %cond3A_239 = arith.cmpi ne, %convert_element_type3A_237, %cond3A_238 : i32
    scf.if %cond3A_239 {
      %get3A_255 = arith.constant 0 : index
      %get3A_256 = arith.constant 0 : index
      %get3A_257 = vector.load %arg11[%get3A_255, %get3A_256] : memref<1024x8xf32, #tpu.memory_space<vmem>>, vector<1024x8xf32>
      %swap3A_258 = arith.constant 0 : index
      %swap3A_259 = arith.constant 64 : index
      %swap3A_260 = vector.load %arg9[%swap3A_258, %swap3A_259] : memref<1024x80xf32, #tpu.memory_space<vmem>>, vector<1024x8xf32>
      tpu.vector_store %arg9[%swap3A_258, %swap3A_259], %get3A_257 {strides = array<i32>} : memref<1024x80xf32, #tpu.memory_space<vmem>>, vector<1024x8xf32>,
      %get3A_261 = arith.constant 0 : index
      %get3A_262 = arith.constant 0 : index
      %get3A_263 = vector.load %arg12[%get3A_261, %get3A_262] : memref<1024x8xf32, #tpu.memory_space<vmem>>, vector<1024x8xf32>
      %swap3A_264 = arith.constant 0 : index
      %swap3A_265 = arith.constant 64 : index
      %swap3A_266 = vector.load %arg10[%swap3A_264, %swap3A_265] : memref<1024x80xf32, #tpu.memory_space<vmem>>, vector<1024x8xf32>
      tpu.vector_store %arg10[%swap3A_264, %swap3A_265], %get3A_263 {strides = array<i32>} : memref<1024x80xf32, #tpu.memory_space<vmem>>, vector<1024x8xf32>,
    } else {
    }
    %eq3A_240 = arith.constant 9 : i32
    %eq3A_241 = arith.cmpi eq, %rem3A_194, %eq3A_240 : i32
    %convert_element_type3A_242 = arith.extui %eq3A_241 : i1 to i32
    %cond3A_243 = arith.constant 0 : i32
    %cond3A_244 = arith.cmpi ne, %convert_element_type3A_242, %cond3A_243 : i32
    scf.if %cond3A_244 {
      %get3A_255 = arith.constant 0 : index
      %get3A_256 = arith.constant 0 : index
      %get3A_257 = vector.load %arg11[%get3A_255, %get3A_256] : memref<1024x8xf32, #tpu.memory_space<vmem>>, vector<1024x8xf32>
      %swap3A_258 = arith.constant 0 : index
      %swap3A_259 = arith.constant 72 : index
      %swap3A_260 = vector.load %arg9[%swap3A_258, %swap3A_259] : memref<1024x80xf32, #tpu.memory_space<vmem>>, vector<1024x8xf32>
      tpu.vector_store %arg9[%swap3A_258, %swap3A_259], %get3A_257 {strides = array<i32>} : memref<1024x80xf32, #tpu.memory_space<vmem>>, vector<1024x8xf32>,
      %get3A_261 = arith.constant 0 : index
      %get3A_262 = arith.constant 0 : index
      %get3A_263 = vector.load %arg12[%get3A_261, %get3A_262] : memref<1024x8xf32, #tpu.memory_space<vmem>>, vector<1024x8xf32>
      %swap3A_264 = arith.constant 0 : index
      %swap3A_265 = arith.constant 72 : index
      %swap3A_266 = vector.load %arg10[%swap3A_264, %swap3A_265] : memref<1024x80xf32, #tpu.memory_space<vmem>>, vector<1024x8xf32>
      tpu.vector_store %arg10[%swap3A_264, %swap3A_265], %get3A_263 {strides = array<i32>} : memref<1024x80xf32, #tpu.memory_space<vmem>>, vector<1024x8xf32>,
    } else {
    }
    %eq3A_245 = arith.constant 9 : i32
    %eq3A_246 = arith.cmpi eq, %rem3A_194, %eq3A_245 : i32
    %convert_element_type3A_247 = arith.extui %eq3A_246 : i1 to i32
    %cond3A_248 = arith.constant 0 : i32
    %cond3A_249 = arith.cmpi ne, %convert_element_type3A_247, %cond3A_248 : i32
    scf.if %cond3A_249 {
      %get3A_255 = arith.constant 0 : index
      %get3A_256 = arith.constant 0 : index
      %get3A_257 = vector.load %arg6[%get3A_255, %get3A_256] : memref<1024x8xf32, #tpu.memory_space<vmem>>, vector<1024x8xf32>
      %get3A_258 = arith.constant 0 : index
      %get3A_259 = arith.constant 0 : index
      %get3A_260 = vector.load %arg9[%get3A_258, %get3A_259] : memref<1024x80xf32, #tpu.memory_space<vmem>>, vector<1024x80xf32>
      %concatenate3A = tpu.concatenate %get3A_257, %get3A_260 in 1 : vector<1024x8xf32>, vector<1024x80xf32> -> vector<1024x88xf32>
      %get3A_261 = arith.constant 0 : index
      %get3A_262 = arith.constant 0 : index
      %get3A_263 = vector.load %arg7[%get3A_261, %get3A_262] : memref<1024x8xf32, #tpu.memory_space<vmem>>, vector<1024x8xf32>
      %get3A_264 = arith.constant 0 : index
      %get3A_265 = arith.constant 0 : index
      %get3A_266 = vector.load %arg10[%get3A_264, %get3A_265] : memref<1024x80xf32, #tpu.memory_space<vmem>>, vector<1024x80xf32>
      %concatenate3A_267 = tpu.concatenate %get3A_263, %get3A_266 in 1 : vector<1024x8xf32>, vector<1024x80xf32> -> vector<1024x88xf32>
      %reduce_max3A_268 = arith.constant dense<0xFF800000> : vector<1024xf32>
      %reduce_max3A_269 = vector.multi_reduction <maximumf>, %concatenate3A, %reduce_max3A_268 [1] : vector<1024x88xf32> to vector<1024xf32>
      %broadcast_in_dim3A_270 = vector.shape_cast %reduce_max3A_269 : vector<1024xf32> to vector<1024x1xf32>
      %eq3A_271 = vector.broadcast %broadcast_in_dim3A_270 : vector<1024x1xf32> to vector<1024x88xf32>
      %eq3A_272 = arith.cmpf oeq, %concatenate3A, %eq3A_271 : vector<1024x88xf32>
      %jit3A_273 = arith.constant 3.000000e+07 : f32
      %broadcast_in_dim3A_274 = vector.broadcast %jit3A_273 : f32 to vector<1024x88xf32>
      %select_n3A_275 = arith.select %eq3A_272, %concatenate3A_267, %broadcast_in_dim3A_274 : vector<1024x88xi1>, vector<1024x88xf32>
      %reduce_min3A_276 = arith.constant dense<0x7F800000> : vector<1024xf32>
      %reduce_min3A_277 = vector.multi_reduction <minimumf>, %select_n3A_275, %reduce_min3A_276 [1] : vector<1024x88xf32> to vector<1024xf32>
      %broadcast_in_dim3A_278 = vector.shape_cast %reduce_min3A_277 : vector<1024xf32> to vector<1024x1xf32>
      %swap3A_279 = arith.constant 0 : index
      %swap3A_280 = arith.constant 0 : index
      %swap3A_281 = vector.load %arg6[%swap3A_279, %swap3A_280] : memref<1024x8xf32, #tpu.memory_space<vmem>>, vector<1024x1xf32>
      tpu.vector_store %arg6[%swap3A_279, %swap3A_280], %broadcast_in_dim3A_270 {strides = array<i32>} : memref<1024x8xf32, #tpu.memory_space<vmem>>, vector<1024x1xf32>,
      %swap3A_282 = arith.constant 0 : index
      %swap3A_283 = arith.constant 0 : index
      %swap3A_284 = vector.load %arg7[%swap3A_282, %swap3A_283] : memref<1024x8xf32, #tpu.memory_space<vmem>>, vector<1024x1xf32>
      tpu.vector_store %arg7[%swap3A_282, %swap3A_283], %broadcast_in_dim3A_278 {strides = array<i32>} : memref<1024x8xf32, #tpu.memory_space<vmem>>, vector<1024x1xf32>,
      %eq3A_285 = vector.broadcast %broadcast_in_dim3A_278 : vector<1024x1xf32> to vector<1024x88xf32>
      %eq3A_286 = arith.cmpf oeq, %concatenate3A_267, %eq3A_285 : vector<1024x88xf32>
      %jit3A_287 = arith.constant -2.000000e+00 : f32
      %broadcast_in_dim3A_288 = vector.broadcast %jit3A_287 : f32 to vector<1024x88xf32>
      %select_n3A_289 = arith.select %eq3A_286, %broadcast_in_dim3A_288, %concatenate3A : vector<1024x88xi1>, vector<1024x88xf32>
      %reduce_max3A_290 = arith.constant dense<0xFF800000> : vector<1024xf32>
      %reduce_max3A_291 = vector.multi_reduction <maximumf>, %select_n3A_289, %reduce_max3A_290 [1] : vector<1024x88xf32> to vector<1024xf32>
      %broadcast_in_dim3A_292 = vector.shape_cast %reduce_max3A_291 : vector<1024xf32> to vector<1024x1xf32>
      %eq3A_293 = vector.broadcast %broadcast_in_dim3A_292 : vector<1024x1xf32> to vector<1024x88xf32>
      %eq3A_294 = arith.cmpf oeq, %select_n3A_289, %eq3A_293 : vector<1024x88xf32>
      %jit3A_295 = arith.constant 3.000000e+07 : f32
      %broadcast_in_dim3A_296 = vector.broadcast %jit3A_295 : f32 to vector<1024x88xf32>
      %select_n3A_297 = arith.select %eq3A_294, %concatenate3A_267, %broadcast_in_dim3A_296 : vector<1024x88xi1>, vector<1024x88xf32>
      %reduce_min3A_298 = arith.constant dense<0x7F800000> : vector<1024xf32>
      %reduce_min3A_299 = vector.multi_reduction <minimumf>, %select_n3A_297, %reduce_min3A_298 [1] : vector<1024x88xf32> to vector<1024xf32>
      %broadcast_in_dim3A_300 = vector.shape_cast %reduce_min3A_299 : vector<1024xf32> to vector<1024x1xf32>
      %swap3A_301 = arith.constant 0 : index
      %swap3A_302 = arith.constant 1 : index
      %swap3A_303 = vector.load %arg6[%swap3A_301, %swap3A_302] : memref<1024x8xf32, #tpu.memory_space<vmem>>, vector<1024x1xf32>
      tpu.vector_store %arg6[%swap3A_301, %swap3A_302], %broadcast_in_dim3A_292 {strides = array<i32>} : memref<1024x8xf32, #tpu.memory_space<vmem>>, vector<1024x1xf32>,
      %swap3A_304 = arith.constant 0 : index
      %swap3A_305 = arith.constant 1 : index
      %swap3A_306 = vector.load %arg7[%swap3A_304, %swap3A_305] : memref<1024x8xf32, #tpu.memory_space<vmem>>, vector<1024x1xf32>
      tpu.vector_store %arg7[%swap3A_304, %swap3A_305], %broadcast_in_dim3A_300 {strides = array<i32>} : memref<1024x8xf32, #tpu.memory_space<vmem>>, vector<1024x1xf32>,
      %eq3A_307 = vector.broadcast %broadcast_in_dim3A_300 : vector<1024x1xf32> to vector<1024x88xf32>
      %eq3A_308 = arith.cmpf oeq, %concatenate3A_267, %eq3A_307 : vector<1024x88xf32>
      %jit3A_309 = arith.constant -2.000000e+00 : f32
      %broadcast_in_dim3A_310 = vector.broadcast %jit3A_309 : f32 to vector<1024x88xf32>
      %select_n3A_311 = arith.select %eq3A_308, %broadcast_in_dim3A_310, %select_n3A_289 : vector<1024x88xi1>, vector<1024x88xf32>
      %reduce_max3A_312 = arith.constant dense<0xFF800000> : vector<1024xf32>
      %reduce_max3A_313 = vector.multi_reduction <maximumf>, %select_n3A_311, %reduce_max3A_312 [1] : vector<1024x88xf32> to vector<1024xf32>
      %broadcast_in_dim3A_314 = vector.shape_cast %reduce_max3A_313 : vector<1024xf32> to vector<1024x1xf32>
      %eq3A_315 = vector.broadcast %broadcast_in_dim3A_314 : vector<1024x1xf32> to vector<1024x88xf32>
      %eq3A_316 = arith.cmpf oeq, %select_n3A_311, %eq3A_315 : vector<1024x88xf32>
      %jit3A_317 = arith.constant 3.000000e+07 : f32
      %broadcast_in_dim3A_318 = vector.broadcast %jit3A_317 : f32 to vector<1024x88xf32>
      %select_n3A_319 = arith.select %eq3A_316, %concatenate3A_267, %broadcast_in_dim3A_318 : vector<1024x88xi1>, vector<1024x88xf32>
      %reduce_min3A_320 = arith.constant dense<0x7F800000> : vector<1024xf32>
      %reduce_min3A_321 = vector.multi_reduction <minimumf>, %select_n3A_319, %reduce_min3A_320 [1] : vector<1024x88xf32> to vector<1024xf32>
      %broadcast_in_dim3A_322 = vector.shape_cast %reduce_min3A_321 : vector<1024xf32> to vector<1024x1xf32>
      %swap3A_323 = arith.constant 0 : index
      %swap3A_324 = arith.constant 2 : index
      %swap3A_325 = vector.load %arg6[%swap3A_323, %swap3A_324] : memref<1024x8xf32, #tpu.memory_space<vmem>>, vector<1024x1xf32>
      tpu.vector_store %arg6[%swap3A_323, %swap3A_324], %broadcast_in_dim3A_314 {strides = array<i32>} : memref<1024x8xf32, #tpu.memory_space<vmem>>, vector<1024x1xf32>,
      %swap3A_326 = arith.constant 0 : index
      %swap3A_327 = arith.constant 2 : index
      %swap3A_328 = vector.load %arg7[%swap3A_326, %swap3A_327] : memref<1024x8xf32, #tpu.memory_space<vmem>>, vector<1024x1xf32>
      tpu.vector_store %arg7[%swap3A_326, %swap3A_327], %broadcast_in_dim3A_322 {strides = array<i32>} : memref<1024x8xf32, #tpu.memory_space<vmem>>, vector<1024x1xf32>,
      %eq3A_329 = vector.broadcast %broadcast_in_dim3A_322 : vector<1024x1xf32> to vector<1024x88xf32>
      %eq3A_330 = arith.cmpf oeq, %concatenate3A_267, %eq3A_329 : vector<1024x88xf32>
      %jit3A_331 = arith.constant -2.000000e+00 : f32
      %broadcast_in_dim3A_332 = vector.broadcast %jit3A_331 : f32 to vector<1024x88xf32>
      %select_n3A_333 = arith.select %eq3A_330, %broadcast_in_dim3A_332, %select_n3A_311 : vector<1024x88xi1>, vector<1024x88xf32>
      %reduce_max3A_334 = arith.constant dense<0xFF800000> : vector<1024xf32>
      %reduce_max3A_335 = vector.multi_reduction <maximumf>, %select_n3A_333, %reduce_max3A_334 [1] : vector<1024x88xf32> to vector<1024xf32>
      %broadcast_in_dim3A_336 = vector.shape_cast %reduce_max3A_335 : vector<1024xf32> to vector<1024x1xf32>
      %eq3A_337 = vector.broadcast %broadcast_in_dim3A_336 : vector<1024x1xf32> to vector<1024x88xf32>
      %eq3A_338 = arith.cmpf oeq, %select_n3A_333, %eq3A_337 : vector<1024x88xf32>
      %jit3A_339 = arith.constant 3.000000e+07 : f32
      %broadcast_in_dim3A_340 = vector.broadcast %jit3A_339 : f32 to vector<1024x88xf32>
      %select_n3A_341 = arith.select %eq3A_338, %concatenate3A_267, %broadcast_in_dim3A_340 : vector<1024x88xi1>, vector<1024x88xf32>
      %reduce_min3A_342 = arith.constant dense<0x7F800000> : vector<1024xf32>
      %reduce_min3A_343 = vector.multi_reduction <minimumf>, %select_n3A_341, %reduce_min3A_342 [1] : vector<1024x88xf32> to vector<1024xf32>
      %broadcast_in_dim3A_344 = vector.shape_cast %reduce_min3A_343 : vector<1024xf32> to vector<1024x1xf32>
      %swap3A_345 = arith.constant 0 : index
      %swap3A_346 = arith.constant 3 : index
      %swap3A_347 = vector.load %arg6[%swap3A_345, %swap3A_346] : memref<1024x8xf32, #tpu.memory_space<vmem>>, vector<1024x1xf32>
      tpu.vector_store %arg6[%swap3A_345, %swap3A_346], %broadcast_in_dim3A_336 {strides = array<i32>} : memref<1024x8xf32, #tpu.memory_space<vmem>>, vector<1024x1xf32>,
      %swap3A_348 = arith.constant 0 : index
      %swap3A_349 = arith.constant 3 : index
      %swap3A_350 = vector.load %arg7[%swap3A_348, %swap3A_349] : memref<1024x8xf32, #tpu.memory_space<vmem>>, vector<1024x1xf32>
      tpu.vector_store %arg7[%swap3A_348, %swap3A_349], %broadcast_in_dim3A_344 {strides = array<i32>} : memref<1024x8xf32, #tpu.memory_space<vmem>>, vector<1024x1xf32>,
      %eq3A_351 = vector.broadcast %broadcast_in_dim3A_344 : vector<1024x1xf32> to vector<1024x88xf32>
      %eq3A_352 = arith.cmpf oeq, %concatenate3A_267, %eq3A_351 : vector<1024x88xf32>
      %jit3A_353 = arith.constant -2.000000e+00 : f32
      %broadcast_in_dim3A_354 = vector.broadcast %jit3A_353 : f32 to vector<1024x88xf32>
      %select_n3A_355 = arith.select %eq3A_352, %broadcast_in_dim3A_354, %select_n3A_333 : vector<1024x88xi1>, vector<1024x88xf32>
      %reduce_max3A_356 = arith.constant dense<0xFF800000> : vector<1024xf32>
      %reduce_max3A_357 = vector.multi_reduction <maximumf>, %select_n3A_355, %reduce_max3A_356 [1] : vector<1024x88xf32> to vector<1024xf32>
      %broadcast_in_dim3A_358 = vector.shape_cast %reduce_max3A_357 : vector<1024xf32> to vector<1024x1xf32>
      %eq3A_359 = vector.broadcast %broadcast_in_dim3A_358 : vector<1024x1xf32> to vector<1024x88xf32>
      %eq3A_360 = arith.cmpf oeq, %select_n3A_355, %eq3A_359 : vector<1024x88xf32>
      %jit3A_361 = arith.constant 3.000000e+07 : f32
      %broadcast_in_dim3A_362 = vector.broadcast %jit3A_361 : f32 to vector<1024x88xf32>
      %select_n3A_363 = arith.select %eq3A_360, %concatenate3A_267, %broadcast_in_dim3A_362 : vector<1024x88xi1>, vector<1024x88xf32>
      %reduce_min3A_364 = arith.constant dense<0x7F800000> : vector<1024xf32>
      %reduce_min3A_365 = vector.multi_reduction <minimumf>, %select_n3A_363, %reduce_min3A_364 [1] : vector<1024x88xf32> to vector<1024xf32>
      %broadcast_in_dim3A_366 = vector.shape_cast %reduce_min3A_365 : vector<1024xf32> to vector<1024x1xf32>
      %swap3A_367 = arith.constant 0 : index
      %swap3A_368 = arith.constant 4 : index
      %swap3A_369 = vector.load %arg6[%swap3A_367, %swap3A_368] : memref<1024x8xf32, #tpu.memory_space<vmem>>, vector<1024x1xf32>
      tpu.vector_store %arg6[%swap3A_367, %swap3A_368], %broadcast_in_dim3A_358 {strides = array<i32>} : memref<1024x8xf32, #tpu.memory_space<vmem>>, vector<1024x1xf32>,
      %swap3A_370 = arith.constant 0 : index
      %swap3A_371 = arith.constant 4 : index
      %swap3A_372 = vector.load %arg7[%swap3A_370, %swap3A_371] : memref<1024x8xf32, #tpu.memory_space<vmem>>, vector<1024x1xf32>
      tpu.vector_store %arg7[%swap3A_370, %swap3A_371], %broadcast_in_dim3A_366 {strides = array<i32>} : memref<1024x8xf32, #tpu.memory_space<vmem>>, vector<1024x1xf32>,
      %eq3A_373 = vector.broadcast %broadcast_in_dim3A_366 : vector<1024x1xf32> to vector<1024x88xf32>
      %eq3A_374 = arith.cmpf oeq, %concatenate3A_267, %eq3A_373 : vector<1024x88xf32>
      %jit3A_375 = arith.constant -2.000000e+00 : f32
      %broadcast_in_dim3A_376 = vector.broadcast %jit3A_375 : f32 to vector<1024x88xf32>
      %select_n3A_377 = arith.select %eq3A_374, %broadcast_in_dim3A_376, %select_n3A_355 : vector<1024x88xi1>, vector<1024x88xf32>
      %reduce_max3A_378 = arith.constant dense<0xFF800000> : vector<1024xf32>
      %reduce_max3A_379 = vector.multi_reduction <maximumf>, %select_n3A_377, %reduce_max3A_378 [1] : vector<1024x88xf32> to vector<1024xf32>
      %broadcast_in_dim3A_380 = vector.shape_cast %reduce_max3A_379 : vector<1024xf32> to vector<1024x1xf32>
      %eq3A_381 = vector.broadcast %broadcast_in_dim3A_380 : vector<1024x1xf32> to vector<1024x88xf32>
      %eq3A_382 = arith.cmpf oeq, %select_n3A_377, %eq3A_381 : vector<1024x88xf32>
      %jit3A_383 = arith.constant 3.000000e+07 : f32
      %broadcast_in_dim3A_384 = vector.broadcast %jit3A_383 : f32 to vector<1024x88xf32>
      %select_n3A_385 = arith.select %eq3A_382, %concatenate3A_267, %broadcast_in_dim3A_384 : vector<1024x88xi1>, vector<1024x88xf32>
      %reduce_min3A_386 = arith.constant dense<0x7F800000> : vector<1024xf32>
      %reduce_min3A_387 = vector.multi_reduction <minimumf>, %select_n3A_385, %reduce_min3A_386 [1] : vector<1024x88xf32> to vector<1024xf32>
      %broadcast_in_dim3A_388 = vector.shape_cast %reduce_min3A_387 : vector<1024xf32> to vector<1024x1xf32>
      %swap3A_389 = arith.constant 0 : index
      %swap3A_390 = arith.constant 5 : index
      %swap3A_391 = vector.load %arg6[%swap3A_389, %swap3A_390] : memref<1024x8xf32, #tpu.memory_space<vmem>>, vector<1024x1xf32>
      tpu.vector_store %arg6[%swap3A_389, %swap3A_390], %broadcast_in_dim3A_380 {strides = array<i32>} : memref<1024x8xf32, #tpu.memory_space<vmem>>, vector<1024x1xf32>,
      %swap3A_392 = arith.constant 0 : index
      %swap3A_393 = arith.constant 5 : index
      %swap3A_394 = vector.load %arg7[%swap3A_392, %swap3A_393] : memref<1024x8xf32, #tpu.memory_space<vmem>>, vector<1024x1xf32>
      tpu.vector_store %arg7[%swap3A_392, %swap3A_393], %broadcast_in_dim3A_388 {strides = array<i32>} : memref<1024x8xf32, #tpu.memory_space<vmem>>, vector<1024x1xf32>,
      %eq3A_395 = vector.broadcast %broadcast_in_dim3A_388 : vector<1024x1xf32> to vector<1024x88xf32>
      %eq3A_396 = arith.cmpf oeq, %concatenate3A_267, %eq3A_395 : vector<1024x88xf32>
      %jit3A_397 = arith.constant -2.000000e+00 : f32
      %broadcast_in_dim3A_398 = vector.broadcast %jit3A_397 : f32 to vector<1024x88xf32>
      %select_n3A_399 = arith.select %eq3A_396, %broadcast_in_dim3A_398, %select_n3A_377 : vector<1024x88xi1>, vector<1024x88xf32>
      %reduce_max3A_400 = arith.constant dense<0xFF800000> : vector<1024xf32>
      %reduce_max3A_401 = vector.multi_reduction <maximumf>, %select_n3A_399, %reduce_max3A_400 [1] : vector<1024x88xf32> to vector<1024xf32>
      %broadcast_in_dim3A_402 = vector.shape_cast %reduce_max3A_401 : vector<1024xf32> to vector<1024x1xf32>
      %eq3A_403 = vector.broadcast %broadcast_in_dim3A_402 : vector<1024x1xf32> to vector<1024x88xf32>
      %eq3A_404 = arith.cmpf oeq, %select_n3A_399, %eq3A_403 : vector<1024x88xf32>
      %jit3A_405 = arith.constant 3.000000e+07 : f32
      %broadcast_in_dim3A_406 = vector.broadcast %jit3A_405 : f32 to vector<1024x88xf32>
      %select_n3A_407 = arith.select %eq3A_404, %concatenate3A_267, %broadcast_in_dim3A_406 : vector<1024x88xi1>, vector<1024x88xf32>
      %reduce_min3A_408 = arith.constant dense<0x7F800000> : vector<1024xf32>
      %reduce_min3A_409 = vector.multi_reduction <minimumf>, %select_n3A_407, %reduce_min3A_408 [1] : vector<1024x88xf32> to vector<1024xf32>
      %broadcast_in_dim3A_410 = vector.shape_cast %reduce_min3A_409 : vector<1024xf32> to vector<1024x1xf32>
      %swap3A_411 = arith.constant 0 : index
      %swap3A_412 = arith.constant 6 : index
      %swap3A_413 = vector.load %arg6[%swap3A_411, %swap3A_412] : memref<1024x8xf32, #tpu.memory_space<vmem>>, vector<1024x1xf32>
      tpu.vector_store %arg6[%swap3A_411, %swap3A_412], %broadcast_in_dim3A_402 {strides = array<i32>} : memref<1024x8xf32, #tpu.memory_space<vmem>>, vector<1024x1xf32>,
      %swap3A_414 = arith.constant 0 : index
      %swap3A_415 = arith.constant 6 : index
      %swap3A_416 = vector.load %arg7[%swap3A_414, %swap3A_415] : memref<1024x8xf32, #tpu.memory_space<vmem>>, vector<1024x1xf32>
      tpu.vector_store %arg7[%swap3A_414, %swap3A_415], %broadcast_in_dim3A_410 {strides = array<i32>} : memref<1024x8xf32, #tpu.memory_space<vmem>>, vector<1024x1xf32>,
      %eq3A_417 = vector.broadcast %broadcast_in_dim3A_410 : vector<1024x1xf32> to vector<1024x88xf32>
      %eq3A_418 = arith.cmpf oeq, %concatenate3A_267, %eq3A_417 : vector<1024x88xf32>
      %jit3A_419 = arith.constant -2.000000e+00 : f32
      %broadcast_in_dim3A_420 = vector.broadcast %jit3A_419 : f32 to vector<1024x88xf32>
      %select_n3A_421 = arith.select %eq3A_418, %broadcast_in_dim3A_420, %select_n3A_399 : vector<1024x88xi1>, vector<1024x88xf32>
      %reduce_max3A_422 = arith.constant dense<0xFF800000> : vector<1024xf32>
      %reduce_max3A_423 = vector.multi_reduction <maximumf>, %select_n3A_421, %reduce_max3A_422 [1] : vector<1024x88xf32> to vector<1024xf32>
      %broadcast_in_dim3A_424 = vector.shape_cast %reduce_max3A_423 : vector<1024xf32> to vector<1024x1xf32>
      %eq3A_425 = vector.broadcast %broadcast_in_dim3A_424 : vector<1024x1xf32> to vector<1024x88xf32>
      %eq3A_426 = arith.cmpf oeq, %select_n3A_421, %eq3A_425 : vector<1024x88xf32>
      %jit3A_427 = arith.constant 3.000000e+07 : f32
      %broadcast_in_dim3A_428 = vector.broadcast %jit3A_427 : f32 to vector<1024x88xf32>
      %select_n3A_429 = arith.select %eq3A_426, %concatenate3A_267, %broadcast_in_dim3A_428 : vector<1024x88xi1>, vector<1024x88xf32>
      %reduce_min3A_430 = arith.constant dense<0x7F800000> : vector<1024xf32>
      %reduce_min3A_431 = vector.multi_reduction <minimumf>, %select_n3A_429, %reduce_min3A_430 [1] : vector<1024x88xf32> to vector<1024xf32>
      %broadcast_in_dim3A_432 = vector.shape_cast %reduce_min3A_431 : vector<1024xf32> to vector<1024x1xf32>
      %swap3A_433 = arith.constant 0 : index
      %swap3A_434 = arith.constant 7 : index
      %swap3A_435 = vector.load %arg6[%swap3A_433, %swap3A_434] : memref<1024x8xf32, #tpu.memory_space<vmem>>, vector<1024x1xf32>
      tpu.vector_store %arg6[%swap3A_433, %swap3A_434], %broadcast_in_dim3A_424 {strides = array<i32>} : memref<1024x8xf32, #tpu.memory_space<vmem>>, vector<1024x1xf32>,
      %swap3A_436 = arith.constant 0 : index
      %swap3A_437 = arith.constant 7 : index
      %swap3A_438 = vector.load %arg7[%swap3A_436, %swap3A_437] : memref<1024x8xf32, #tpu.memory_space<vmem>>, vector<1024x1xf32>
      tpu.vector_store %arg7[%swap3A_436, %swap3A_437], %broadcast_in_dim3A_432 {strides = array<i32>} : memref<1024x8xf32, #tpu.memory_space<vmem>>, vector<1024x1xf32>,
    } else {
    }
    %eq3A_250 = arith.constant 99 : i32
    %eq3A_251 = arith.cmpi eq, %arg0, %eq3A_250 : i32
    %convert_element_type3A_252 = arith.extui %eq3A_251 : i1 to i32
    %cond3A_253 = arith.constant 0 : i32
    %cond3A_254 = arith.cmpi ne, %convert_element_type3A_252, %cond3A_253 : i32
    scf.if %cond3A_254 {
      %get3A_255 = arith.constant 0 : index
      %get3A_256 = arith.constant 0 : index
      %get3A_257 = vector.load %arg6[%get3A_255, %get3A_256] : memref<1024x8xf32, #tpu.memory_space<vmem>>, vector<1024x8xf32>
      %reduce_sum3A_258 = arith.constant dense<0.000000e+00> : vector<1024xf32>
      %reduce_sum3A_259 = vector.multi_reduction <add>, %get3A_257, %reduce_sum3A_258 [1] : vector<1024x8xf32> to vector<1024xf32>
      %broadcast_in_dim3A_260 = vector.shape_cast %reduce_sum3A_259 : vector<1024xf32> to vector<1024x1xf32>
      %get3A_261 = arith.constant 0 : index
      %get3A_262 = arith.constant 0 : index
      %get3A_263 = vector.load %arg8[%get3A_261, %get3A_262] : memref<1024x1000xf32, #tpu.memory_space<vmem>>, vector<1024x1000xf32>
      %reduce_sum3A_264 = arith.constant dense<0.000000e+00> : vector<1024xf32>
      %reduce_sum3A_265 = vector.multi_reduction <add>, %get3A_263, %reduce_sum3A_264 [1] : vector<1024x1000xf32> to vector<1024xf32>
      %broadcast_in_dim3A_266 = vector.shape_cast %reduce_sum3A_265 : vector<1024xf32> to vector<1024x1xf32>
      %mul3A_267 = arith.constant 9.99999971E-10 : f32
      %mul3A_268 = vector.broadcast %mul3A_267 : f32 to vector<1024x1xf32>
      %mul3A_269 = arith.mulf %mul3A_268, %broadcast_in_dim3A_266 : vector<1024x1xf32>
      %add3A_270 = arith.addf %broadcast_in_dim3A_260, %mul3A_269 : vector<1024x1xf32>
      %div3A = vector.broadcast %add3A_270 : vector<1024x1xf32> to vector<1024x8xf32>
      %div3A_271 = arith.divf %get3A_257, %div3A : vector<1024x8xf32>
      %swap3A_272 = arith.constant 0 : index
      %swap3A_273 = arith.constant 0 : index
      %swap3A_274 = vector.load %arg3[%swap3A_272, %swap3A_273] : memref<1024x8xf32, #tpu.memory_space<vmem>>, vector<1024x8xf32>
      tpu.vector_store %arg3[%swap3A_272, %swap3A_273], %div3A_271 {strides = array<i32>} : memref<1024x8xf32, #tpu.memory_space<vmem>>, vector<1024x8xf32>,
      %get3A_275 = arith.constant 0 : index
      %get3A_276 = arith.constant 0 : index
      %get3A_277 = vector.load %arg7[%get3A_275, %get3A_276] : memref<1024x8xf32, #tpu.memory_space<vmem>>, vector<1024x8xf32>
      %convert_element_type3A_278 = arith.fptosi %get3A_277 : vector<1024x8xf32> to vector<1024x8xi32>
      %swap3A_279 = arith.constant 0 : index
      %swap3A_280 = arith.constant 0 : index
      %swap3A_281 = vector.load %arg4[%swap3A_279, %swap3A_280] : memref<1024x8xi32, #tpu.memory_space<vmem>>, vector<1024x8xi32>
      tpu.vector_store %arg4[%swap3A_279, %swap3A_280], %convert_element_type3A_278 {strides = array<i32>} : memref<1024x8xi32, #tpu.memory_space<vmem>>, vector<1024x8xi32>,
    } else {
    }
    return
  }
  func.func @transform_0(%arg0: i32) -> (i32, i32) {
    %c0_i32 = arith.constant 0 : i32
    %c0_i32_0 = arith.constant 0 : i32
    %c0_i32_1 = arith.constant 0 : i32
    return %c0_i32, %c0_i32_0 : i32, i32
  }
  func.func @transform_1(%arg0: i32) -> (i32, i32) {
    %c0_i32 = arith.constant 0 : i32
    %c0_i32_0 = arith.constant 0 : i32
    return %arg0, %c0_i32 : i32, i32
  }
  func.func @transform_2(%arg0: i32) -> (i32, i32) {
    %c0_i32 = arith.constant 0 : i32
    %c0_i32_0 = arith.constant 0 : i32
    %c0_i32_1 = arith.constant 0 : i32
    return %c0_i32, %c0_i32_0 : i32, i32
  }
  func.func @transform_3(%arg0: i32) -> (i32, i32) {
    %c0_i32 = arith.constant 0 : i32
    %c0_i32_0 = arith.constant 0 : i32
    %c0_i32_1 = arith.constant 0 : i32
    return %c0_i32, %c0_i32_0 : i32, i32
  }
}

</mosaic_0001>

<sc_bundles>
// kernel: kernel.4.cloned.1.call-start
scs
__scs_entry_jumppad:
0x0: {  	(pc) =	sbr.rel $0x88, $3  }
0x1: {  	(tag) =	ssettag $0x0;
	lr =	simm.s32 $0x1  }
0x2: {  	[smem:$0x3F9F] =	sst lr;
	_ =	strace $0xD0000000  }
0x3: {  	_ = 	snop  }
0x4: {  	_ = 	snop  }
0x5: {  	_ = 	snop  }
0x6: {  	_ = 	snop  }
0x7: {  	_ = 	snop  }
__scs_overlays_trampoline_lowered:
0x8: {  	[smem:$0x3FAE] =	sst s0  }
0x9: {  	[smem:$0x3FAF] =	sst s1  }
0xa: {  	[smem:$0x3FB0] =	sst s2  }
0xb: {  	[smem:$0x3FB1] =	sst s3  }
0xc: {  	[smem:$0x3FB2] =	sst s4  }
0xd: {  	[smem:$0x3FB3] =	sst s5  }
0xe: {  	[smem:$0x3FB4] =	sst s6  }
0xf: {  	[smem:$0x3FB5] =	sst s7  }
0x10: {  	[smem:$0x3FB6] =	sst s8  }
0x11: {  	[smem:$0x3FB7] =	sst s9;
	s0 =	simm.s32 @!p0 $0x0  }
0x12: {  	s1 =	sld [smem:$0x3F9D];
	s0 =	simm.s32 @p0 $0x1  }
0x13: {  	[smem:$0x3FB8] =	sst s0;
	s0 =	simm.s32 @!p1 $0x0  }
0x14: {  	s2 =	sld [smem:$0x3F9C];
	s0 =	simm.s32 @p1 $0x1  }
0x15: {  	[smem:$0x3FB9] =	sst s0;
	s0 =	simm.s32 @!p2 $0x0  }
0x16: {  	s3 =	sld [smem:$0x3FDB];
	s0 =	simm.s32 @p2 $0x1  }
0x17: {  	s4 =	simm.s32 $0x1BF5;
	[smem:$0x3FBB] =	sst s0  }
0x18: {  	s0 =	sld [smem:$0x3F9E];
	_ =	swait.ge [sflag:s4], $0x0  }
0x19: {  	s7 =	sld [smem:$0x3F9F]  }
0x1a: {  	s8 =	sadd.s32 $0xFFFFE003, lr  }
0x1b: {  	s9 =	sadd.s32 $0xFFFFFEF7, lr;
	s5 =	simm.s32 $0xFFFFFFFF;
	p2 =	slt.u32 s8, $0xFFFFF086  }
0x1c: {  	p1 =	slt.u32 s9, $0xF7A;
	s5 =	simm.s32 @!p2 $0x0  }
0x1d: {  	s5 =	simm.s32 @p1 $0x1;
	p0 =	seq.s32 s7, s2  }
0x1e: {  	s7 =	smul.u32 @!p0 $0xF7A, s2;
	p2 =	seq.s32 @!p0 s5, $0x0  }
0x1f: {  	s9 =	smul.u32 $0xF7A, s1;
	s8 =	simm.s32 @!p0 $0x1BF5;
	p2 =	por !p2, p0  }
0x20: {  	[sflag:s8] =	ssyncset.s32 @!p0 $0xFFFFF086;
	s6 =	sadd.s32 @!p0 s3, s7;
	s7 =	simm.s32 @!p0 $0x108  }
0x21: {  	s3 =	sadd.s32 s3, s9;
	s6 =	sadd.s32 @!p0 $0x88, s6;
	s7 =	simm.s32 @p2 $0x1082  }
0x22: {  	[simem:s7], [sflag:s8] =	dma.local @!p0 [hbm:s6], $0xF7A  }
0x23: {  	s9 =	sor.u32 $0xD0000000, s2;
	s6 =	simm.s32 $0x108;
	_ =	swait.ge @!p0 [sflag:s8], $0x0  }
0x24: {  	s3 =	sadd.s32 $0x88, s3;
	s6 =	simm.s32 @!p1 $0x1082;
	[sflag:s4] =	ssyncset.s32 $0xFFFFF086  }
0x25: {  	[simem:s6], [sflag:s4] =	dma.local [hbm:s3], $0xF7A  }
0x26: {  	[smem:$0x3F9F] =	sst s1;
	(tag) =	ssettag s2;
	_ =	strace s9  }
0x27: {  	s1 =	sld [smem:$0x3FAF]  }
0x28: {  	s2 =	sld [smem:$0x3FB0]  }
0x29: {  	s4 =	sld [smem:$0x3FB2]  }
0x2a: {  	p0 =	seq.s32 s5, $0x0;
	s5 =	sld [smem:$0x3FB3]  }
0x2b: {  	s6 =	sld [smem:$0x3FB4]  }
0x2c: {  	s7 =	sld [smem:$0x3FB5]  }
0x2d: {  	s3 =	simm.s32 $0x108;
	s8 =	sld [smem:$0x3FB6]  }
0x2e: {  	s3 =	simm.s32 @!p0 $0x1082;
	s9 =	sld [smem:$0x3FB7]  }
0x2f: {  	lr =	sadd.s32 s0, s3;
	s0 =	sld [smem:$0x3FAE]  }
0x30: {  	s3 =	sld [smem:$0x3FB1]  }
0x31: {  	[smem:$0x3FBA] =	sst s10  }
0x32: {  	s10 =	sld [smem:$0x3FB8];
	_ =	sdelay $0x3  }
0x33: {  	p0 =	seq.s32 s10, $0x1;
	s10 =	sld [smem:$0x3FBA];
	_ =	sdelay $0x3  }
0x34: {  	[smem:$0x3FBA] =	sst s10  }
0x35: {  	s10 =	sld [smem:$0x3FB9];
	_ =	sdelay $0x3  }
0x36: {  	p1 =	seq.s32 s10, $0x1;
	s10 =	sld [smem:$0x3FBA];
	_ =	sdelay $0x3  }
0x37: {  	[smem:$0x3FBA] =	sst s10  }
0x38: {  	s10 =	sld [smem:$0x3FBB]  }
0x39: {  	_ = 	snop;
	(pc) =	sbr.ind lr, $3  }
0x3a: {  	_ = 	snop  }
0x3b: {  	_ = 	snop  }
0x3c: {  	p2 =	seq.s32 s10, $0x1;
	s10 =	sld [smem:$0x3FBA]  }
0x3d: {  	_ =	shalt  }
0x3e: {  	_ =	shalt  }
0x3f: {  	_ =	shalt  }
0x40: {  	_ =	shalt  }
0x41: {  	_ =	shalt  }
0x42: {  	_ =	shalt  }
0x43: {  	_ =	shalt  }
0x44: {  	_ =	shalt  }
0x45: {  	_ =	shalt  }
0x46: {  	_ =	shalt  }
0x47: {  	_ =	shalt  }
0x48: {  	_ =	shalt  }
0x49: {  	_ =	shalt  }
0x4a: {  	_ =	shalt  }
0x4b: {  	_ =	shalt  }
0x4c: {  	_ =	shalt  }
0x4d: {  	_ =	shalt  }
0x4e: {  	_ =	shalt  }
0x4f: {  	_ =	shalt  }
0x50: {  	_ =	shalt  }
0x51: {  	_ =	shalt  }
0x52: {  	_ =	shalt  }
0x53: {  	_ =	shalt  }
0x54: {  	_ =	shalt  }
0x55: {  	_ =	shalt  }
0x56: {  	_ =	shalt  }
0x57: {  	_ =	shalt  }
0x58: {  	_ =	shalt  }
0x59: {  	_ =	shalt  }
0x5a: {  	_ =	shalt  }
0x5b: {  	_ =	shalt  }
0x5c: {  	_ =	shalt  }
0x5d: {  	_ =	shalt  }
0x5e: {  	_ =	shalt  }
0x5f: {  	_ =	shalt  }
0x60: {  	_ =	shalt  }
0x61: {  	_ =	shalt  }
0x62: {  	_ =	shalt  }
0x63: {  	_ =	shalt  }
0x64: {  	_ =	shalt  }
0x65: {  	_ =	shalt  }
0x66: {  	_ =	shalt  }
0x67: {  	_ =	shalt  }
0x68: {  	_ =	shalt  }
0x69: {  	_ =	shalt  }
0x6a: {  	_ =	shalt  }
0x6b: {  	_ =	shalt  }
0x6c: {  	_ =	shalt  }
0x6d: {  	_ =	shalt  }
0x6e: {  	_ =	shalt  }
0x6f: {  	_ =	shalt  }
0x70: {  	_ =	shalt  }
0x71: {  	_ =	shalt  }
0x72: {  	_ =	shalt  }
0x73: {  	_ =	shalt  }
0x74: {  	_ =	shalt  }
0x75: {  	_ =	shalt  }
0x76: {  	_ =	shalt  }
0x77: {  	_ =	shalt  }
0x78: {  	_ =	shalt  }
0x79: {  	_ =	shalt  }
0x7a: {  	_ =	shalt  }
0x7b: {  	_ =	shalt  }
0x7c: {  	_ =	shalt  }
0x7d: {  	_ =	shalt  }
0x7e: {  	_ =	shalt  }
0x7f: {  	_ =	shalt  }
0x80: {  	_ =	shalt  }
0x81: {  	_ =	shalt  }
0x82: {  	_ =	shalt  }
0x83: {  	_ =	shalt  }
0x84: {  	_ =	shalt  }
0x85: {  	_ =	shalt  }
0x86: {  	_ =	shalt  }
0x87: {  	_ =	shalt  }
.Lfunc_end0:
.L_simem_size_0:
called_computation_lowered:
.L_overlay_start_0:
0x88: {  	s2 =	sld [smem:$0x3FD9]  }
0x89: {  	s3 =	sld [smem:$0x3FFE];
	_ =	sdelay $0x1  }
0x8a: {  	s1 =	srdreg.scid  }
0x8b: {  	s0 =	sand.u32 $0x1, s1  }
0x8c: {  	s14 =	sshll.u32 s0, $0xA;
	s2 =	sadd.s32 s3, s2  }
0x8d: {  	s2 =	sadd.s32 s2, s14  }
0x8e: {  	[smem:$0x3FC6] =	sst s2  }
0x8f: {  	_ = 	snop  }
0x90: {  	s2 =	sld [smem:$0x3FD0];
	_ =	sdelay $0x2  }
0x91: {  	s4 =	simm.s32 $0xA;
	s5 =	simm.s32 $0x10;
	s15 =	sld [smem:$0x3FC8]  }
0x92: {  	[smem:s5], [sflag:s4] =	dma.local [hbm:s2], $0x1  }
0x93: {  	_ =	swait.eq [sflag:s4], $0x1  }
0x94: {  	[sflag:s4] =	ssyncset.done $0x0  }
0x95: {  	s16 =	sld [smem:$0x10];
	[sflag:s4] =	ssyncadd.s32 $0xFFFFFFFF  }
0x96: {  	s17 =	sld [smem:$0x11];
	(tm) =	ssettm $0x1  }
0x97: {  	s18 =	sld [smem:$0x3FFB];
	_ =	sdelay $0x3  }
0x98: {  	_ =	strace s18  }
0x99: {  	s5 =	sld [smem:$0x3FFC];
	_ =	sdelay $0x3  }
0x9a: {  	_ =	strace s5  }
0x9b: {  	s5 =	sld [smem:$0x3FFD];
	_ =	sdelay $0x3  }
0x9c: {  	_ =	strace s5  }
0x9d: {  	_ =	strace $0x8FFFFFFF  }
0x9e: {  	s19 =	sld [smem:$0x3FDB];
	_ =	sdelay $0x1  }
0x9f: {  	s6 =	simm.s32 $_scs_section_size  }
0xa0: {  	s7 =	simm.s32 $_size__tile_overlayer_lowered;
	s8 =	simm.s32 $_tile_overlayer_lowered  }
0xa1: {  	s22 =	simm.s32 $0x1BFF;
	s21 =	sshll.u32 s8, $0x1;
	s5 =	sadd.s32 s6, s19  }
0xa2: {  	s9 =	simm.s32 $0x0;
	s20 =	sshll.u32 s7, $0x1;
	s7 =	sadd.s32 s21, s5  }
0xa3: {  	[timem:s9], [sflag:s22] =	dma.local [hbm:s7], s20  }
0xa4: {  	_ =	swait.ge [sflag:s22], s20  }
0xa5: {  	s6 =	ssub.s32 $0x0, s20;
	[sflag:s22] =	ssyncset.done $0x0  }
0xa6: {  	[sflag:s22] =	ssyncadd.s32 s6;
	_ =	sdelay $0x1  }
0xa7: {  	s23 =	simm.s32 $0x1B8B  }
0xa8: {  	_ =	swait.ge [sflag:s23], $0x1  }
0xa9: {  	[sflag:s23] =	ssyncset.done $0x0  }
0xaa: {  	s25 =	simm.s32 $0x1B8E;
	s24 =	sld [smem:$0x3FFE];
	[sflag:s23] =	ssyncadd.s32 $0xFFFFFFFF  }
0xab: {  	s26 =	simm.s32 $execute0_lowered;
	[smem:$0x3FD2] =	sst s25  }
0xac: {  	s7 =	sshll.u32 s26, $0x1;
	_ =	strace $0x80000046;
	[dreg:$0x1] =	wrdreg $0xFFFFFFFF  }
0xad: {  	s28 =	simm.s32 $_size_execute0_lowered;
	s5 =	sadd.s32 s5, s7;
	[dreg:$0x0] =	wrdreg $0x0  }
0xae: {  	s7 =	sshll.u32 s28, $0x1;
	[dreg:$0x2] =	wrdreg s5  }
0xaf: {  	[dreg:$0x3] =	wrdreg s7  }
0xb0: {  	[dreg:$0x4] =	wrdreg $0xC0  }
0xb1: {  	_ =	task [dreg:s9], $0x5FFFF  }
0xb2: {  	[dreg:$0x1] =	wrdreg $0xFFFFFFFF  }
0xb3: {  	[dreg:$0x0] =	wrdreg $0x60  }
0xb4: {  	[dreg:$0x2] =	wrdreg s17  }
0xb5: {  	[dreg:$0x3] =	wrdreg s24  }
0xb6: {  	[dreg:$0x4] =	wrdreg s15  }
0xb7: {  	[dreg:$0x5] =	wrdreg s16  }
0xb8: {  	[dreg:$0x6] =	wrdreg $0x9  }
0xb9: {  	_ =	task.clear_ibuf [dreg:s9], $0x7FFFF;
	_ =	strace $0x90000046  }
0xba: {  	s29 =	simm.s32 $0x9;
	_ =	strace $0x80000048  }
0xbb: {  	_ =	swait.ge [sflag:s29], $0x1  }
0xbc: {  	[sflag:s29] =	ssyncadd.s32 $0xFFFFFFFF  }
0xbd: {  	_ =	strace $0x90000048  }
0xbe: {  	_ =	sfence  }
0xbf: {  	s30 =	sld [smem:$0x0];
	_ =	sdelay $0x2  }
0xc0: {  	s31 =	sshll.u32 s1, $0xD;
	s1 =	sshrl.u32 s1, $0x2  }
0xc1: {  	s3 =	sand.u32 $0x4000, s31;
	s1 =	sadd.s32 s1, s30  }
0xc2: {  	s0 =	sor.u32 s3, s0;
	s1 =	sshll.u32 s1, $0x11  }
0xc3: {  	s0 =	sor.u32 s1, s0  }
0xc4: {  	s0 =	sadd.s32 $0x8F2B, s0  }
0xc5: {  	[sflag:s0] =	ssyncadd.remote.s32 $0x1  }
0xc6: {  	_ =	sfence.sel $0xFFFF  }
0xc7: {  	[dreg:$0x0] =	wrdreg $0xFFFFFFFF;
	(pc) =	sbr.abs _section_cstart, $3  }
0xc8: {  	[dreg:$0x1] =	wrdreg $0xFFFFFFFF  }
0xc9: {  	_ =	task.clear_ibuf [dreg:s9], $0x2FFFF;
	_ =	strace $0x9FFFFFFF  }
0xca: {  	(tm) =	ssettm $0x7FFFFFFF  }
0xcb: {  	_ =	shalt  }
tec
execute0_lowered:
.L_overlay_start_1:
0x0: {  	(tag) =	ssettag $0x1  }
0x1: {  	s7 =	rddreg [dreg:$0x0]  }
0x2: {  	s6 =	rddreg [dreg:$0x1]  }
0x3: {  	s1 =	rddreg [dreg:$0x2]  }
0x4: {  	s2 =	rddreg [dreg:$0x3]  }
0x5: {  	s0 =	rddreg [dreg:$0x4];
	s4 =	simm.s32 $0x0;
	s5 =	srdreg.scid  }
0x6: {  	s3 =	stileid.u32;
	s11 =	simm.s32 $0x100;
	s12 =	simm.s32 $0x200  }
0x7: {  	s13 =	simm.s32 $0x80;
	s14 =	simm.s32 $0x400;
	s15 =	simm.s32 $0x10  }
0x8: {  	s16 =	simm.s32 $0x18900;
	s17 =	simm.s32 $0x18980;
	s18 =	simm.s32 $0x1  }
0x9: {  	s19 =	simm.s32 $0x19180;
	s20 =	simm.s32 $0x2;
	s5 =	sand.u32 $0x1, s5  }
0xa: {  	s21 =	simm.s32 $0x0;
	s8 =	sshll.u32 s3, $0x6;
	s9 =	sshll.u32 s5, $0x5  }
0xb: {  	[smem:$0x7FF] =	sst s4;
	s10 =	ssub.s32 $0x2, s5;
	s5 =	sor.u32 s9, s8  }
0xc: {  	_ =	strace $0x80000047;
	s31 =	sshrl.u32 s10, $0x1;
	s9 =	sadd.s32 s5, s6  }
0xd: {  	v1 =	vlaneseq.u32;
	s6 =	sadd.s32 $0x1000, s6;
	s10 =	ssub.s32 s10, s31;
	s7 =	sadd.s32 s7, s5  }
0xe: {  	v0 =	vimm.f32 $0.0e+00;
	v1 =	vand.u32 $0x7, v1;
	s8 =	sadd.s32 $0xC00, s9;
	s9 =	smax.u32 s10, $0x1;
	s10 =	simm.s32 $0x3  }
.LBB2_1:
0xf: {  	[tilespmem:s4], [sflag:$0x3] =	stream.linear.gather [hbm4b:s7+s4], $0x100, $0x38;
	[tilespmem:$0x19200] =	vst v63  }
0x10: {  	_ =	swait.ge [sflag:s10], $0x100  }
0x11: {  	[sflag:s10] =	ssyncset.done $0x0  }
0x12: {  	[sflag:s10] =	ssyncadd.s32 $0xFFFFFF00  }
0x13: {  	[tilespmem:s11], [sflag:$0x3] =	stream.linear.gather [hbm4b:s8+s4], $0x100, $0x38;
	[tilespmem:$0x19200] =	vst v63  }
0x14: {  	_ =	swait.ge [sflag:s10], $0x100  }
0x15: {  	[sflag:s10] =	ssyncset.done $0x0  }
0x16: {  	s23 =	simm.s32 $0x100;
	s22 =	simm.s32 $0x0;
	[sflag:s10] =	ssyncadd.s32 $0xFFFFFF00  }
.LBB2_2:
0x17: {  	p0 =	sne.s32 s23, $0x61900;
	[tilespmem:s22+$0x230] =	vst v0;
	s24 =	smov.u32 s23;
	s23 =	sadd.s32 $0x100, s23  }
.Ltmp0:
0x18: {  	[tilespmem:s22+$0x220] =	vst v0;
	(pc) =	sbr.rel @p0 .LBB2_2-.Ltmp0, $3  }
0x19: {  	[tilespmem:s22+$0x200] =	vst v0  }
0x1a: {  	[tilespmem:s22+$0x210] =	vst v0;
	_ =	sdelay $0x1  }
0x1b: {  	s22 =	sshra.s32 s24, $0x2  }
0x1c: {  	[tilespmem:s22+$0x230] =	vst v0  }
0x1d: {  	[tilespmem:s22+$0x220] =	vst v0  }
0x1e: {  	[tilespmem:s22+$0x200] =	vst v0  }
0x1f: {  	[tilespmem:s22+$0x210] =	vst v0  }
0x20: {  	[tilespmem:$0x18880] =	vst v0  }
0x21: {  	s22 =	simm.s32 $0x0;
	s23 =	smov.u32 s5;
	s24 =	simm.s32 $0x0;
	[tilespmem:$0x18890] =	vst v0  }
.LBB2_4:
0x22: {  	v3 =	vor.u32 s24, v1;
	_ =	sdelay $0x4  }
0x23: {  	v2 =	vld.idx.msk [tilespmem:v3+s11+$0x0], $0xffff;
	_ =	sdelay $0x2  }
0x24: {  	s26 =	sshrl.u32 s23, $0x3;
	v3 =	vld.idx.msk [tilespmem:v3+s4+$0x0], $0xffff  }
0x25: {  	s28 =	smul.u32 $0xC3800, s26  }
0x26: {  	s25 =	sand.u32 $0x380, s22  }
0x27: {  	s28 =	sor.u32 s25, s28  }
0x28: {  	s28 =	sshrl.u32 s28, $0x3  }
0x29: {  	s28 =	sadd.s32 s6, s28;
	[tilespmem:v2+s12+$0x0] =	vst.idx.msk $0xff, v3  }
0x2a: {  	[hbm4b:s28+s13] =	stream.strided.scatter [tilespmem:s12], [sflag:$0x2], $0x18700, s14, s13, $0x38;
	[tilespmem:$0x19200] =	vst v63  }
0x2b: {  	v3 =	vmov s24;
	[tilespmem:$0x18900] =	vst v2  }
0x2c: {  	v4 =	vor.u32 $0x1, v3;
	[tilespmem:s17], [sflag:$0x1] =	stream.indirect.gather [hbm4b:s1+s15], $0x80, s16, s15, $0xb8;
	[tilespmem:$0x19200] =	vst v63  }
0x2d: {  	v5 =	vor.u32 $0x2, v3;
	_ =	swait.ge [sflag:s18], $0x800  }
0x2e: {  	v6 =	vor.u32 $0x3, v3;
	[sflag:s18] =	ssyncset.done $0x0  }
0x2f: {  	v11 =	vor.u32 $0x4, v3;
	[sflag:s18] =	ssyncadd.s32 $0xFFFFF800  }
0x30: {  	v12 =	vor.u32 $0x5, v3;
	v9 =	vld.idx.msk [tilespmem:v3+s4+$0x0], $0xffff  }
0x31: {  	v47 =	vor.u32 $0x6, v3;
	v10 =	vld.idx.msk [tilespmem:v4+s4+$0x0], $0xffff  }
0x32: {  	v8 =	vld.idx.msk [tilespmem:v5+s4+$0x0], $0xffff  }
0x33: {  	v7 =	vld.idx.msk [tilespmem:v6+s4+$0x0], $0xffff  }
0x34: {  	v6 =	vld.idx.msk [tilespmem:v11+s4+$0x0], $0xffff  }
0x35: {  	v5 =	vld.idx.msk [tilespmem:v12+s4+$0x0], $0xffff  }
0x36: {  	v4 =	vld.idx.msk [tilespmem:v47+s4+$0x0], $0xffff  }
0x37: {  	v48 =	vld [tilespmem:$0x18980]  }
0x38: {  	v49 =	vld [tilespmem:$0x18A00]  }
0x39: {  	v13 =	vld [tilespmem:$0x18A80]  }
0x3a: {  	v14 =	vld [tilespmem:$0x18B00]  }
0x3b: {  	v15 =	vld [tilespmem:$0x18B80]  }
0x3c: {  	v16 =	vld [tilespmem:$0x18C00]  }
0x3d: {  	v17 =	vld [tilespmem:$0x18C80]  }
0x3e: {  	v18 =	vld [tilespmem:$0x18D00]  }
0x3f: {  	v19 =	vld [tilespmem:$0x18990]  }
0x40: {  	v20 =	vld [tilespmem:$0x18A10]  }
0x41: {  	v21 =	vld [tilespmem:$0x18A90]  }
0x42: {  	v22 =	vld [tilespmem:$0x18B10]  }
0x43: {  	v23 =	vld [tilespmem:$0x18B90]  }
0x44: {  	v24 =	vld [tilespmem:$0x18C10]  }
0x45: {  	v25 =	vld [tilespmem:$0x18C90]  }
0x46: {  	v26 =	vld [tilespmem:$0x18D10]  }
0x47: {  	v27 =	vld [tilespmem:$0x189A0]  }
0x48: {  	v28 =	vld [tilespmem:$0x18A20]  }
0x49: {  	v29 =	vld [tilespmem:$0x18AA0]  }
0x4a: {  	v30 =	vld [tilespmem:$0x18B20]  }
0x4b: {  	v31 =	vld [tilespmem:$0x18BA0]  }
0x4c: {  	v32 =	vld [tilespmem:$0x18C20]  }
0x4d: {  	v33 =	vld [tilespmem:$0x18CA0]  }
0x4e: {  	v34 =	vld [tilespmem:$0x18D20]  }
0x4f: {  	v35 =	vld [tilespmem:$0x189B0]  }
0x50: {  	v36 =	vld [tilespmem:$0x18A30]  }
0x51: {  	v37 =	vld [tilespmem:$0x18AB0]  }
0x52: {  	v3 =	vor.u32 $0x7, v3;
	v38 =	vld [tilespmem:$0x18B30];
	v11 =	vmul.f32 v48, v9;
	v12 =	vmul.f32 v49, v10  }
0x53: {  	v39 =	vld [tilespmem:$0x18BB0];
	v19 =	vmul.f32 v19, v9;
	v20 =	vmul.f32 v20, v10  }
0x54: {  	v42 =	vld [tilespmem:$0x189D0];
	v50 =	vmul.f32 v13, v8;
	v51 =	vmul.f32 v21, v8  }
0x55: {  	v44 =	vld [tilespmem:$0x18A50];
	v52 =	vmul.f32 v14, v7;
	v53 =	vmul.f32 v22, v7  }
0x56: {  	v46 =	vld [tilespmem:$0x18AD0];
	v54 =	vmul.f32 v15, v6;
	v55 =	vmul.f32 v23, v6  }
0x57: {  	v3 =	vld.idx.msk [tilespmem:v3+s4+$0x0], $0xffff;
	v56 =	vmul.f32 v16, v5;
	v57 =	vmul.f32 v17, v4  }
0x58: {  	v13 =	vld [tilespmem:$0x18C30];
	v58 =	vmul.f32 v24, v5;
	v59 =	vmul.f32 v25, v4  }
0x59: {  	v21 =	vld [tilespmem:$0x18CB0];
	v60 =	vmul.f32 v27, v9;
	v61 =	vmul.f32 v28, v10  }
0x5a: {  	v14 =	vld [tilespmem:$0x18D30];
	v62 =	vmul.f32 v35, v9;
	v63 =	vmul.f32 v36, v10  }
0x5b: {  	v22 =	vld [tilespmem:$0x189C0];
	v40 =	vmul.f32 v29, v8;
	v41 =	vmul.f32 v37, v8  }
0x5c: {  	v15 =	vld [tilespmem:$0x18A40];
	v43 =	vmul.f32 v30, v7;
	v45 =	vmul.f32 v38, v7  }
0x5d: {  	v23 =	vld [tilespmem:$0x18AC0];
	v47 =	vmul.f32 v31, v6;
	v11 =	vadd.f32 v12, v11;
	v19 =	vadd.f32 v20, v19  }
0x5e: {  	v17 =	vld [tilespmem:$0x18B40];
	v49 =	vmul.f32 v39, v6;
	v12 =	vadd.f32 v61, v60;
	v20 =	vadd.f32 v63, v62  }
0x5f: {  	v25 =	vld [tilespmem:$0x18BC0];
	v61 =	vmul.f32 v46, v8;
	v19 =	vadd.f32 v51, v19;
	v51 =	vmul.f32 v32, v5  }
0x60: {  	v28 =	vld [tilespmem:$0x18C40];
	v11 =	vadd.f32 v50, v11;
	v18 =	vmul.f32 v18, v3;
	v26 =	vmul.f32 v26, v3  }
0x61: {  	v36 =	vld [tilespmem:$0x18CC0];
	v12 =	vadd.f32 v40, v12;
	v13 =	vmul.f32 v13, v5;
	v21 =	vmul.f32 v21, v4  }
0x62: {  	v20 =	vadd.f32 v41, v20;
	v50 =	vld [tilespmem:$0x18BD0];
	v15 =	vmul.f32 v15, v10;
	v63 =	vmul.f32 v34, v3  }
0x63: {  	v41 =	vld [tilespmem:$0x18B60];
	v14 =	vmul.f32 v14, v3;
	v11 =	vadd.f32 v52, v11;
	v19 =	vadd.f32 v53, v19  }
0x64: {  	v35 =	vld [tilespmem:$0x18AE0];
	v37 =	vmul.f32 v25, v6;
	v12 =	vadd.f32 v43, v12;
	v20 =	vadd.f32 v45, v20  }
0x65: {  	v52 =	vmul.f32 v33, v4;
	v53 =	vld [tilespmem:$0x18C50];
	v33 =	vmul.f32 v17, v7;
	v11 =	vadd.f32 v54, v11  }
0x66: {  	v60 =	vld [tilespmem:$0x18A60];
	v45 =	vmul.f32 v28, v5;
	v19 =	vadd.f32 v55, v19;
	v12 =	vadd.f32 v47, v12  }
0x67: {  	v34 =	vld [tilespmem:$0x18A70];
	v20 =	vadd.f32 v49, v20;
	v55 =	vmul.f32 v22, v9;
	v40 =	vmul.f32 v50, v6  }
0x68: {  	v38 =	vld [tilespmem:$0x18AF0];
	v49 =	vmul.f32 v41, v7;
	v11 =	vadd.f32 v56, v11;
	v19 =	vadd.f32 v58, v19  }
0x69: {  	v27 =	vld [tilespmem:$0x18D40];
	v12 =	vadd.f32 v51, v12;
	v13 =	vadd.f32 v13, v20;
	v56 =	vmul.f32 v42, v9  }
0x6a: {  	v58 =	vld [tilespmem:$0x189E0];
	v15 =	vadd.f32 v15, v55;
	v47 =	vmul.f32 v53, v5;
	v11 =	vadd.f32 v57, v11  }
0x6b: {  	v62 =	vld [tilespmem:$0x189F0];
	v19 =	vadd.f32 v59, v19;
	v57 =	vmul.f32 v44, v10;
	v59 =	vmul.f32 v23, v8  }
0x6c: {  	v54 =	vld [tilespmem:$0x18CD0];
	v12 =	vadd.f32 v52, v12;
	v23 =	vmul.f32 v60, v10;
	v10 =	vmul.f32 v34, v10  }
0x6d: {  	v48 =	vld [tilespmem:$0x18B50];
	v13 =	vadd.f32 v21, v13;
	v21 =	vmul.f32 v35, v8;
	v8 =	vmul.f32 v38, v8  }
0x6e: {  	v43 =	vld [tilespmem:$0x18B70];
	v52 =	vmul.f32 v36, v4;
	v60 =	vmul.f32 v27, v3;
	v11 =	vadd.f32 v18, v11  }
0x6f: {  	v22 =	vld [tilespmem:$0x18D50];
	v19 =	vadd.f32 v26, v19;
	v20 =	vadd.f32 v57, v56;
	v42 =	vmul.f32 v58, v9  }
0x70: {  	v44 =	vld [tilespmem:$0x18BE0];
	v15 =	vadd.f32 v59, v15;
	v12 =	vadd.f32 v63, v12;
	v9 =	vmul.f32 v62, v9  }
0x71: {  	v46 =	vld [tilespmem:$0x18BF0];
	v54 =	vmul.f32 v54, v4;
	v13 =	vadd.f32 v14, v13;
	v16 =	vadd.f32 v23, v42  }
0x72: {  	v18 =	vmul.f32 v48, v7;
	v48 =	vld [tilespmem:$0x18C60];
	v20 =	vadd.f32 v61, v20;
	v9 =	vadd.f32 v10, v9  }
0x73: {  	v50 =	vld [tilespmem:$0x18C70];
	v7 =	vmul.f32 v43, v7;
	v15 =	vadd.f32 v33, v15;
	v16 =	vadd.f32 v21, v16  }
0x74: {  	v51 =	vld [tilespmem:$0x18CE0];
	v61 =	vmul.f32 v22, v3;
	v39 =	vadd.f32 v18, v20;
	v8 =	vadd.f32 v8, v9  }
0x75: {  	v53 =	vld [tilespmem:$0x18CF0];
	v17 =	vmul.f32 v44, v6;
	v15 =	vadd.f32 v37, v15;
	v16 =	vadd.f32 v49, v16  }
0x76: {  	v55 =	vld [tilespmem:$0x18D60];
	v6 =	vmul.f32 v46, v6;
	v14 =	vadd.f32 v40, v39;
	v7 =	vadd.f32 v7, v8  }
0x77: {  	v58 =	vld [tilespmem:$0x18D70];
	v57 =	vmul.f32 v48, v5;
	v15 =	vadd.f32 v45, v15;
	v56 =	vadd.f32 v17, v16  }
0x78: {  	v5 =	vmul.f32 v50, v5;
	v10 =	vadd.f32 v47, v14;
	v6 =	vadd.f32 v6, v7  }
0x79: {  	[tilespmem:$0x19180] =	vst v11;
	v9 =	vmul.f32 v51, v4;
	v14 =	vadd.f32 v52, v15;
	v59 =	vadd.f32 v57, v56  }
0x7a: {  	[tilespmem:$0x19190] =	vst v19;
	v4 =	vmul.f32 v53, v4;
	v8 =	vadd.f32 v54, v10;
	v5 =	vadd.f32 v5, v6  }
0x7b: {  	v62 =	vmul.f32 v55, v3;
	[tilespmem:$0x191A0] =	vst v12;
	v10 =	vadd.f32 v60, v14;
	v7 =	vadd.f32 v9, v59  }
0x7c: {  	[tilespmem:$0x191B0] =	vst v13;
	v3 =	vmul.f32 v58, v3;
	v6 =	vadd.f32 v61, v8;
	v4 =	vadd.f32 v4, v5  }
0x7d: {  	s26 =	sshll.u32 s26, $0xA;
	[tilespmem:$0x191C0] =	vst v10;
	v63 =	vadd.f32 v62, v7  }
0x7e: {  	s25 =	sor.u32 s25, s26;
	[tilespmem:$0x191D0] =	vst v6;
	v3 =	vadd.f32 v3, v4  }
0x7f: {  	s25 =	sshrl.u32 s25, $0x3;
	[tilespmem:$0x191E0] =	vst v63  }
0x80: {  	s25 =	sadd.s32 s2, s25;
	[tilespmem:$0x191F0] =	vst v3  }
0x81: {  	[hbm4b:s25+s4] =	stream.linear.scatter [tilespmem:s19], [sflag:$0x3], $0x80, $0x38;
	[tilespmem:$0x19200] =	vst v63  }
0x82: {  	_ =	swait.ge [sflag:s10], $0x80  }
0x83: {  	p0 =	sne.s32 s24, $0xF8;
	[sflag:s10] =	ssyncset.done $0x0  }
.Ltmp1:
0x84: {  	[sflag:s10] =	ssyncadd.s32 $0xFFFFFF80;
	(pc) =	sbr.rel @p0 .LBB2_4-.Ltmp1, $4  }
0x85: {  	_ =	swait.ge [sflag:s20], $0x18700  }
0x86: {  	[sflag:s20] =	ssyncset.done $0x0  }
0x87: {  	[sflag:s20] =	ssyncadd.s32 $0xFFFE7900  }
0x88: {  	s22 =	sadd.s32 $0x80, s22;
	s23 =	sadd.s32 $0x1, s23;
	s24 =	sadd.s32 $0x8, s24;
	[tilespmem:v2+s12+$0x0] =	vst.idx.msk $0xff, v0  }
0x89: {  	s21 =	sadd.s32 $0x1, s21  }
0x8a: {  	p0 =	sne.s32 s21, s9  }
.Ltmp2:
0x8b: {  	_ = 	snop;
	(pc) =	sbr.rel @p0 .LBB2_1-.Ltmp2, $1  }
0x8c: {  	_ =	sdelay $0x3  }
0x8d: {  	_ =	sfence.sel $0x180000  }
0x8e: {  	[bflag:$0x0] =	sbarrier.arrive $0xFFFF  }
0x8f: {  	p0 =	sne.s32 s3, $0x0;
	_ =	strace $0x90000047  }
0x90: {  	s0 =	sadd.s32 @!p0 $0x100000, s0;
	[bflag:$0x2] =	sbarrier.arrive $0xFFFF  }
0x91: {  	[sflag:s0] =	ssyncadd.tile.s32 @!p0 $0x1;
	_ =	shalt  }
.Lfunc_end2:
_tile_overlayer_lowered:
.L_overlay_start_2:
0x92: {  	(tag) =	ssettag $0x2  }
0x93: {  	s0 =	rddreg [dreg:$0x0];
	s2 =	stileid.u32  }
0x94: {  	s1 =	rddreg [dreg:$0x1];
	p0 =	sne.s32 s2, $0x0  }
0x95: {  	s3 =	rddreg [dreg:$0x2];
	[bflag:$0x3] =	sbarrier.arrive $0xFFFF;
	s2 =	simm.s32 @!p0 $0x1C03  }
0x96: {  	[timem:s3], [sflag:s2] =	dma.local @!p0 [hbm:s0], s1  }
0x97: {  	s0 =	simm.s32 @!p0 $0x3  }
0x98: {  	_ =	swait.ge @!p0 [sflag:s0], s1  }
0x99: {  	s1 =	ssub.s32 @!p0 $0x0, s1;
	[sflag:s0] =	ssyncset.done @!p0 $0x0  }
0x9a: {  	[sflag:s0] =	ssyncadd.s32 @!p0 s1  }
0x9b: {  	[bflag:$0x3] =	sbarrier.arrive $0xFFFF  }
0x9c: {  	_ =	shalt  }

</sc_bundles>
